<compile_context>
chip_gen: v7x
topology: tpu7x:2x2x1
jax: 0.10.2.dev20260603
libtpu: 0.0.44.dev20260713+nightly
codegen_flags: <defaults>
</compile_context>

<pallas_src>
import jax
import jax.numpy as jnp
from jax import lax
from jax.experimental import pallas as pl
from jax.experimental.pallas import tpu as pltpu
from jax.experimental.pallas import tpu_sc as plsc

_B = 16384
_F = 26
_V = 100000
_VP = 102400
_D = 50
_C = 13
_FP = 32

_NC = 2
_NS = 16
_L = 16
_NW = _NC * _NS
_BPW = _B // _NW
_G = _BPW // _L

_VB = 51200
_NVB = _VP // _VB


def _tc_body(tab_ref, wf_ref, xc_ref, wc_ref, b_ref, s_ref, cont_ref):
    f = pl.program_id(0)
    s_ref[...] = jnp.dot(wf_ref[pl.ds(f, 1), :], tab_ref[0],
                         preferred_element_type=jnp.float32)[0]

    @pl.when(jnp.logical_and(f == 0, pl.program_id(1) == 0))
    def _():
        cont_ref[...] = jnp.dot(
            xc_ref[...], wc_ref[...],
            preferred_element_type=jnp.float32)[:, 0] + b_ref[0]


def _sc_body(s_hbm, gidx_hbm, cont_hbm, out_hbm, xcat_v, idx_v, val_v, acc_v,
             sem):
    wid = lax.axis_index("s") * _NC + lax.axis_index("c")
    base = pl.multiple_of(wid * _BPW, _BPW)

    lane = lax.iota(jnp.int32, _L)

    pltpu.sync_copy(gidx_hbm.at[wid], xcat_v)

    def build_and_fire(f, carry):
        fcol = jnp.full((_L,), f, jnp.int32)
        for g in range(_G):
            idx_v[f, pl.ds(g * _L, _L)] = plsc.load_gather(
                xcat_v, [lane + g * _L, fcol])
        pltpu.async_copy(s_hbm.at[idx_v.at[f]], val_v.at[f], sem)
        return carry

    lax.fori_loop(0, _F, build_and_fire, 0)

    pltpu.sync_copy(cont_hbm.at[pl.ds(base, _BPW)], acc_v)

    for f in range(_F):
        pltpu.make_async_copy(s_hbm.at[idx_v.at[f]], val_v.at[f], sem).wait()

    def field(f, carry):
        for g in range(_G):
            plsc.addupdate(acc_v.at[pl.ds(g * _L, _L)],
                           val_v[f, pl.ds(g * _L, _L)])
        return carry

    lax.fori_loop(0, _F, field, 0)

    pltpu.sync_copy(acc_v, out_hbm.at[pl.ds(base, _BPW)])


@jax.jit
def _run(tabT, wf, gidx, x_cont, wcv, b):
    s, cont = pl.pallas_call(
        _tc_body,
        grid=(_F, _NVB),
        in_specs=[
            pl.BlockSpec((1, _D, _VB), lambda f, j: (f, 0, j)),
            pl.BlockSpec((_F, _D), lambda f, j: (0, 0)),
            pl.BlockSpec((_B, _C), lambda f, j: (0, 0)),
            pl.BlockSpec((_C, 1), lambda f, j: (0, 0)),
            pl.BlockSpec(memory_space=pltpu.SMEM),
        ],
        out_specs=[
            pl.BlockSpec((_VB,), lambda f, j: (f * _NVB + j,)),
            pl.BlockSpec((_B,), lambda f, j: (0,)),
        ],
        out_shape=[
            jax.ShapeDtypeStruct((_F * _VP,), jnp.float32),
            jax.ShapeDtypeStruct((_B,), jnp.float32),
        ],
    )(tabT, wf, x_cont, wcv, b)

    k = pl.kernel(
        _sc_body,
        out_type=jax.ShapeDtypeStruct((_B,), jnp.float32),
        mesh=plsc.VectorSubcoreMesh(core_axis_name="c", subcore_axis_name="s",
                                    num_cores=_NC, num_subcores=_NS),
        scratch_types=[
            pltpu.VMEM((_BPW, _FP), jnp.int32),
            pltpu.VMEM((_F, _BPW), jnp.int32),
            pltpu.VMEM((_F, _BPW), jnp.float32),
            pltpu.VMEM((_BPW,), jnp.float32),
            pltpu.SemaphoreType.DMA,
        ],
        compiler_params=pltpu.CompilerParams(
            needs_layout_passes=False, use_tc_tiling_on_sc=False),
    )
    return k(s, gidx, cont)


def kernel(x_cont, x_cat, tables, W, b):
    tabT = tables.transpose(0, 2, 1)
    wf = W[:_F * _D, 0].reshape(_F, _D)
    wcv = W[_F * _D:, :]
    gidx = jnp.pad(x_cat + jnp.arange(_F, dtype=jnp.int32)[None, :] * _VP,
                   ((0, 0), (0, _FP - _F)))
    gidx = gidx.reshape(_NW, _BPW, _FP)
    out = _run(tabT, wf, gidx, x_cont, wcv, b)
    return out.reshape(_B, 1)

# --- scband reference (transcript-rebuilt; emitter-appended) ---
"""Pipeline reference for scband-gdlinear-regressor-23390391894500 (READ-ONLY COPY).

The authoritative reference and input builder live on the scoring server;
editing this copy changes nothing except your own understanding.
"""

import jax, jax.numpy as jnp
import numpy as np

B = 16384
F = 26
V = 100000
D = 50  # min(50, (100000 + 1) // 2) = 50
C = 13
INPUT_SIZE = F * D + C


def setup_inputs(seed: int = 0) -> dict:
    key = jax.random.key(seed)
    k1, k2, k3, k4 = jax.random.split(key, 4)
    x_cont = jax.random.normal(k1, (B, C), dtype=jnp.float32)
    x_cat = jax.random.randint(k2, (B, F), 0, V, dtype=jnp.int32)
    # 26 embedding tables, all (V, D); stacked into one array [F, V, D]
    tables = jax.random.normal(k3, (F, V, D), dtype=jnp.float32) * 0.01
    W = jax.random.normal(k4, (INPUT_SIZE, 1), dtype=jnp.float32) * 0.02
    b = jnp.zeros((1,), dtype=jnp.float32)
    return {"x_cont": x_cont, "x_cat": x_cat, "tables": tables, "W": W, "b": b}


def reference(x_cont, x_cat, tables, W, b):
    # Per-field embedding lookup: tables[i][x_cat[:, i]] for each field i, then concat.
    # Advanced indexing gathers [B, F, D] in one shot (fields share shape).
    field_ids = jnp.arange(F, dtype=jnp.int32)[None, :]  # [1, F]
    emb = tables[field_ids, x_cat]                        # [B, F, D]
    emb_flat = emb.reshape(x_cat.shape[0], F * D)         # cat(embeddings, 1)
    x = jnp.concatenate([emb_flat, x_cont], axis=1)       # cat([x, x_cont], 1)
    return x @ W + b                                      # Linear(input_size, 1)

if __name__ == "__main__":
    import jax
    _d = setup_inputs()
    print(jax.jit(kernel)(*tuple(_d.values())))

</pallas_src>

<mosaic_0001>
#map = affine_map<(d0, d1) -> (0)>
#map1 = affine_map<(d0, d1) -> (0, 0, 0)>
module attributes {stable_mosaic.version = 14 : i64} {
  func.func @_sc_body(%arg0: i32, %arg1: i32, %arg2: memref<2662400xf32, #tpu.memory_space<hbm>>, %arg3: memref<32x512x32xi32, #tpu.memory_space<hbm>>, %arg4: memref<16384xf32, #tpu.memory_space<hbm>>, %arg5: memref<16384xf32, #tpu.memory_space<hbm>>, %arg6: memref<512x32xi32, #tpu.memory_space<vmem>>, %arg7: memref<26x512xi32, #tpu.memory_space<vmem>>, %arg8: memref<26x512xf32, #tpu.memory_space<vmem>>, %arg9: memref<512xf32, #tpu.memory_space<vmem>>, %arg10: memref<!tpu.dma_semaphore, #tpu.memory_space<semaphore_mem>>) attributes {dimension_semantics = [#tpu.dimension_semantics<core_parallel>, #tpu.dimension_semantics<subcore_parallel>], iteration_bounds = array<i64: 2, 16>, scalar_prefetch = 0 : i64, scratch_operands = 5 : i64, tpu.core_type = #tpu.core_type<sc_vector_subcore>, window_params = [{transform_indices = #map}, {transform_indices = #map1}, {transform_indices = #map}, {transform_indices = #map}]} {
    %mul3A = arith.constant 2 : i32
    %mul3A_0 = arith.muli %arg1, %mul3A : i32
    %add3A = arith.addi %mul3A_0, %arg0 : i32
    %mul3A_1 = arith.constant 512 : i32
    %mul3A_2 = arith.muli %add3A, %mul3A_1 : i32
    %multiple_of3A = tpu.assume_multiple %mul3A_2, 512 : i32
    %iota3A = tpu.iota {dimensions = array<i32: 0>} : vector<16xi32>
    "tpu.region"() ({
      %run_scoped3A = tpu.sem_alloc : memref<!tpu.dma_semaphore, #tpu.memory_space<semaphore_mem>>
      %dma_start3A = arith.constant 0 : i32
      %dma_start3A_273 = arith.constant 0 : i32
      %dma_start3A_274 = tpu.memref_slice %arg3[%add3A, %dma_start3A, %dma_start3A_273] : memref<32x512x32xi32, #tpu.memory_space<hbm>> -> memref<1x512x32xi32, #tpu.memory_space<hbm>>
      %dma_start3A_275 = tpu.memref_squeeze %dma_start3A_274 : memref<1x512x32xi32, #tpu.memory_space<hbm>> -> memref<512x32xi32, #tpu.memory_space<hbm>>
      %dma_start3A_276 = arith.constant 0 : i32
      %dma_start3A_277 = arith.constant 0 : i32
      %dma_start3A_278 = tpu.memref_slice %arg3[%add3A, %dma_start3A_276, %dma_start3A_277] : memref<32x512x32xi32, #tpu.memory_space<hbm>> -> memref<1x512x32xi32, #tpu.memory_space<hbm>>
      %dma_start3A_279 = tpu.memref_squeeze %dma_start3A_278 : memref<1x512x32xi32, #tpu.memory_space<hbm>> -> memref<512x32xi32, #tpu.memory_space<hbm>>
      tpu.enqueue_dma source(%dma_start3A_279 : memref<512x32xi32, #tpu.memory_space<hbm>>) target(%arg6 : memref<512x32xi32, #tpu.memory_space<vmem>>) target_semaphore(%run_scoped3A : memref<!tpu.dma_semaphore, #tpu.memory_space<semaphore_mem>>)
      %dma_wait3A_280 = arith.constant 0 : i32
      %dma_wait3A_281 = arith.constant 0 : i32
      %dma_wait3A_282 = tpu.memref_slice %arg3[%add3A, %dma_wait3A_280, %dma_wait3A_281] : memref<32x512x32xi32, #tpu.memory_space<hbm>> -> memref<1x512x32xi32, #tpu.memory_space<hbm>>
      %dma_wait3A_283 = tpu.memref_squeeze %dma_wait3A_282 : memref<1x512x32xi32, #tpu.memory_space<hbm>> -> memref<512x32xi32, #tpu.memory_space<hbm>>
      %dma_wait3A_284 = arith.constant 0 : i32
      %dma_wait3A_285 = arith.constant 0 : i32
      %dma_wait3A_286 = tpu.memref_slice %arg3[%add3A, %dma_wait3A_284, %dma_wait3A_285] : memref<32x512x32xi32, #tpu.memory_space<hbm>> -> memref<1x512x32xi32, #tpu.memory_space<hbm>>
      %dma_wait3A_287 = tpu.memref_squeeze %dma_wait3A_286 : memref<1x512x32xi32, #tpu.memory_space<hbm>> -> memref<512x32xi32, #tpu.memory_space<hbm>>
      tpu.wait_dma2 semaphore(%run_scoped3A : memref<!tpu.dma_semaphore, #tpu.memory_space<semaphore_mem>>) src(%dma_wait3A_287 : memref<512x32xi32, #tpu.memory_space<hbm>>) dst(%arg6 : memref<512x32xi32, #tpu.memory_space<vmem>>)
      tpu.yield
    }) : () -> ()
    %scan3A = arith.constant 0 : i32
    %scan3A_3 = arith.constant 0 : i32
    %scan3A_4 = arith.constant 26 : i32
    %scan3A_5 = arith.addi %scan3A_3, %scan3A_4 : i32
    %scan3A_6 = arith.constant 1 : i32
    scf.for %scan3A_273 = %scan3A_3 to %scan3A_5 step %scan3A_6  : i32 {
      %broadcast_in_dim3A = vector.broadcast %scan3A_273 : i32 to vector<16xi32>
      %add3A_274 = arith.constant 0 : i32
      %add3A_275 = vector.broadcast %add3A_274 : i32 to vector<16xi32>
      %add3A_276 = arith.addi %iota3A, %add3A_275 : vector<16xi32>
      %gather3A = tpu.vector_load_idx %arg6[%add3A_276, %broadcast_in_dim3A] : memref<512x32xi32, #tpu.memory_space<vmem>>[vector<16xi32>, vector<16xi32>], vector<16xi32>,
      %swap3A = arith.index_cast %scan3A_273 : i32 to index
      %swap3A_277 = arith.constant 0 : index
      %swap3A_278 = tpu.vector_load %arg7[%swap3A, %swap3A_277] {strides = array<i32>} : memref<26x512xi32, #tpu.memory_space<vmem>>, vector<16xi32>,
      tpu.vector_store %arg7[%swap3A, %swap3A_277], %gather3A {strides = array<i32>} : memref<26x512xi32, #tpu.memory_space<vmem>>, vector<16xi32>,
      %add3A_279 = arith.constant 16 : i32
      %add3A_280 = vector.broadcast %add3A_279 : i32 to vector<16xi32>
      %add3A_281 = arith.addi %iota3A, %add3A_280 : vector<16xi32>
      %gather3A_282 = tpu.vector_load_idx %arg6[%add3A_281, %broadcast_in_dim3A] : memref<512x32xi32, #tpu.memory_space<vmem>>[vector<16xi32>, vector<16xi32>], vector<16xi32>,
      %swap3A_283 = arith.index_cast %scan3A_273 : i32 to index
      %swap3A_284 = arith.constant 16 : index
      %swap3A_285 = tpu.vector_load %arg7[%swap3A_283, %swap3A_284] {strides = array<i32>} : memref<26x512xi32, #tpu.memory_space<vmem>>, vector<16xi32>,
      tpu.vector_store %arg7[%swap3A_283, %swap3A_284], %gather3A_282 {strides = array<i32>} : memref<26x512xi32, #tpu.memory_space<vmem>>, vector<16xi32>,
      %add3A_286 = arith.constant 32 : i32
      %add3A_287 = vector.broadcast %add3A_286 : i32 to vector<16xi32>
      %add3A_288 = arith.addi %iota3A, %add3A_287 : vector<16xi32>
      %gather3A_289 = tpu.vector_load_idx %arg6[%add3A_288, %broadcast_in_dim3A] : memref<512x32xi32, #tpu.memory_space<vmem>>[vector<16xi32>, vector<16xi32>], vector<16xi32>,
      %swap3A_290 = arith.index_cast %scan3A_273 : i32 to index
      %swap3A_291 = arith.constant 32 : index
      %swap3A_292 = tpu.vector_load %arg7[%swap3A_290, %swap3A_291] {strides = array<i32>} : memref<26x512xi32, #tpu.memory_space<vmem>>, vector<16xi32>,
      tpu.vector_store %arg7[%swap3A_290, %swap3A_291], %gather3A_289 {strides = array<i32>} : memref<26x512xi32, #tpu.memory_space<vmem>>, vector<16xi32>,
      %add3A_293 = arith.constant 48 : i32
      %add3A_294 = vector.broadcast %add3A_293 : i32 to vector<16xi32>
      %add3A_295 = arith.addi %iota3A, %add3A_294 : vector<16xi32>
      %gather3A_296 = tpu.vector_load_idx %arg6[%add3A_295, %broadcast_in_dim3A] : memref<512x32xi32, #tpu.memory_space<vmem>>[vector<16xi32>, vector<16xi32>], vector<16xi32>,
      %swap3A_297 = arith.index_cast %scan3A_273 : i32 to index
      %swap3A_298 = arith.constant 48 : index
      %swap3A_299 = tpu.vector_load %arg7[%swap3A_297, %swap3A_298] {strides = array<i32>} : memref<26x512xi32, #tpu.memory_space<vmem>>, vector<16xi32>,
      tpu.vector_store %arg7[%swap3A_297, %swap3A_298], %gather3A_296 {strides = array<i32>} : memref<26x512xi32, #tpu.memory_space<vmem>>, vector<16xi32>,
      %add3A_300 = arith.constant 64 : i32
      %add3A_301 = vector.broadcast %add3A_300 : i32 to vector<16xi32>
      %add3A_302 = arith.addi %iota3A, %add3A_301 : vector<16xi32>
      %gather3A_303 = tpu.vector_load_idx %arg6[%add3A_302, %broadcast_in_dim3A] : memref<512x32xi32, #tpu.memory_space<vmem>>[vector<16xi32>, vector<16xi32>], vector<16xi32>,
      %swap3A_304 = arith.index_cast %scan3A_273 : i32 to index
      %swap3A_305 = arith.constant 64 : index
      %swap3A_306 = tpu.vector_load %arg7[%swap3A_304, %swap3A_305] {strides = array<i32>} : memref<26x512xi32, #tpu.memory_space<vmem>>, vector<16xi32>,
      tpu.vector_store %arg7[%swap3A_304, %swap3A_305], %gather3A_303 {strides = array<i32>} : memref<26x512xi32, #tpu.memory_space<vmem>>, vector<16xi32>,
      %add3A_307 = arith.constant 80 : i32
      %add3A_308 = vector.broadcast %add3A_307 : i32 to vector<16xi32>
      %add3A_309 = arith.addi %iota3A, %add3A_308 : vector<16xi32>
      %gather3A_310 = tpu.vector_load_idx %arg6[%add3A_309, %broadcast_in_dim3A] : memref<512x32xi32, #tpu.memory_space<vmem>>[vector<16xi32>, vector<16xi32>], vector<16xi32>,
      %swap3A_311 = arith.index_cast %scan3A_273 : i32 to index
      %swap3A_312 = arith.constant 80 : index
      %swap3A_313 = tpu.vector_load %arg7[%swap3A_311, %swap3A_312] {strides = array<i32>} : memref<26x512xi32, #tpu.memory_space<vmem>>, vector<16xi32>,
      tpu.vector_store %arg7[%swap3A_311, %swap3A_312], %gather3A_310 {strides = array<i32>} : memref<26x512xi32, #tpu.memory_space<vmem>>, vector<16xi32>,
      %add3A_314 = arith.constant 96 : i32
      %add3A_315 = vector.broadcast %add3A_314 : i32 to vector<16xi32>
      %add3A_316 = arith.addi %iota3A, %add3A_315 : vector<16xi32>
      %gather3A_317 = tpu.vector_load_idx %arg6[%add3A_316, %broadcast_in_dim3A] : memref<512x32xi32, #tpu.memory_space<vmem>>[vector<16xi32>, vector<16xi32>], vector<16xi32>,
      %swap3A_318 = arith.index_cast %scan3A_273 : i32 to index
      %swap3A_319 = arith.constant 96 : index
      %swap3A_320 = tpu.vector_load %arg7[%swap3A_318, %swap3A_319] {strides = array<i32>} : memref<26x512xi32, #tpu.memory_space<vmem>>, vector<16xi32>,
      tpu.vector_store %arg7[%swap3A_318, %swap3A_319], %gather3A_317 {strides = array<i32>} : memref<26x512xi32, #tpu.memory_space<vmem>>, vector<16xi32>,
      %add3A_321 = arith.constant 112 : i32
      %add3A_322 = vector.broadcast %add3A_321 : i32 to vector<16xi32>
      %add3A_323 = arith.addi %iota3A, %add3A_322 : vector<16xi32>
      %gather3A_324 = tpu.vector_load_idx %arg6[%add3A_323, %broadcast_in_dim3A] : memref<512x32xi32, #tpu.memory_space<vmem>>[vector<16xi32>, vector<16xi32>], vector<16xi32>,
      %swap3A_325 = arith.index_cast %scan3A_273 : i32 to index
      %swap3A_326 = arith.constant 112 : index
      %swap3A_327 = tpu.vector_load %arg7[%swap3A_325, %swap3A_326] {strides = array<i32>} : memref<26x512xi32, #tpu.memory_space<vmem>>, vector<16xi32>,
      tpu.vector_store %arg7[%swap3A_325, %swap3A_326], %gather3A_324 {strides = array<i32>} : memref<26x512xi32, #tpu.memory_space<vmem>>, vector<16xi32>,
      %add3A_328 = arith.constant 128 : i32
      %add3A_329 = vector.broadcast %add3A_328 : i32 to vector<16xi32>
      %add3A_330 = arith.addi %iota3A, %add3A_329 : vector<16xi32>
      %gather3A_331 = tpu.vector_load_idx %arg6[%add3A_330, %broadcast_in_dim3A] : memref<512x32xi32, #tpu.memory_space<vmem>>[vector<16xi32>, vector<16xi32>], vector<16xi32>,
      %swap3A_332 = arith.index_cast %scan3A_273 : i32 to index
      %swap3A_333 = arith.constant 128 : index
      %swap3A_334 = tpu.vector_load %arg7[%swap3A_332, %swap3A_333] {strides = array<i32>} : memref<26x512xi32, #tpu.memory_space<vmem>>, vector<16xi32>,
      tpu.vector_store %arg7[%swap3A_332, %swap3A_333], %gather3A_331 {strides = array<i32>} : memref<26x512xi32, #tpu.memory_space<vmem>>, vector<16xi32>,
      %add3A_335 = arith.constant 144 : i32
      %add3A_336 = vector.broadcast %add3A_335 : i32 to vector<16xi32>
      %add3A_337 = arith.addi %iota3A, %add3A_336 : vector<16xi32>
      %gather3A_338 = tpu.vector_load_idx %arg6[%add3A_337, %broadcast_in_dim3A] : memref<512x32xi32, #tpu.memory_space<vmem>>[vector<16xi32>, vector<16xi32>], vector<16xi32>,
      %swap3A_339 = arith.index_cast %scan3A_273 : i32 to index
      %swap3A_340 = arith.constant 144 : index
      %swap3A_341 = tpu.vector_load %arg7[%swap3A_339, %swap3A_340] {strides = array<i32>} : memref<26x512xi32, #tpu.memory_space<vmem>>, vector<16xi32>,
      tpu.vector_store %arg7[%swap3A_339, %swap3A_340], %gather3A_338 {strides = array<i32>} : memref<26x512xi32, #tpu.memory_space<vmem>>, vector<16xi32>,
      %add3A_342 = arith.constant 160 : i32
      %add3A_343 = vector.broadcast %add3A_342 : i32 to vector<16xi32>
      %add3A_344 = arith.addi %iota3A, %add3A_343 : vector<16xi32>
      %gather3A_345 = tpu.vector_load_idx %arg6[%add3A_344, %broadcast_in_dim3A] : memref<512x32xi32, #tpu.memory_space<vmem>>[vector<16xi32>, vector<16xi32>], vector<16xi32>,
      %swap3A_346 = arith.index_cast %scan3A_273 : i32 to index
      %swap3A_347 = arith.constant 160 : index
      %swap3A_348 = tpu.vector_load %arg7[%swap3A_346, %swap3A_347] {strides = array<i32>} : memref<26x512xi32, #tpu.memory_space<vmem>>, vector<16xi32>,
      tpu.vector_store %arg7[%swap3A_346, %swap3A_347], %gather3A_345 {strides = array<i32>} : memref<26x512xi32, #tpu.memory_space<vmem>>, vector<16xi32>,
      %add3A_349 = arith.constant 176 : i32
      %add3A_350 = vector.broadcast %add3A_349 : i32 to vector<16xi32>
      %add3A_351 = arith.addi %iota3A, %add3A_350 : vector<16xi32>
      %gather3A_352 = tpu.vector_load_idx %arg6[%add3A_351, %broadcast_in_dim3A] : memref<512x32xi32, #tpu.memory_space<vmem>>[vector<16xi32>, vector<16xi32>], vector<16xi32>,
      %swap3A_353 = arith.index_cast %scan3A_273 : i32 to index
      %swap3A_354 = arith.constant 176 : index
      %swap3A_355 = tpu.vector_load %arg7[%swap3A_353, %swap3A_354] {strides = array<i32>} : memref<26x512xi32, #tpu.memory_space<vmem>>, vector<16xi32>,
      tpu.vector_store %arg7[%swap3A_353, %swap3A_354], %gather3A_352 {strides = array<i32>} : memref<26x512xi32, #tpu.memory_space<vmem>>, vector<16xi32>,
      %add3A_356 = arith.constant 192 : i32
      %add3A_357 = vector.broadcast %add3A_356 : i32 to vector<16xi32>
      %add3A_358 = arith.addi %iota3A, %add3A_357 : vector<16xi32>
      %gather3A_359 = tpu.vector_load_idx %arg6[%add3A_358, %broadcast_in_dim3A] : memref<512x32xi32, #tpu.memory_space<vmem>>[vector<16xi32>, vector<16xi32>], vector<16xi32>,
      %swap3A_360 = arith.index_cast %scan3A_273 : i32 to index
      %swap3A_361 = arith.constant 192 : index
      %swap3A_362 = tpu.vector_load %arg7[%swap3A_360, %swap3A_361] {strides = array<i32>} : memref<26x512xi32, #tpu.memory_space<vmem>>, vector<16xi32>,
      tpu.vector_store %arg7[%swap3A_360, %swap3A_361], %gather3A_359 {strides = array<i32>} : memref<26x512xi32, #tpu.memory_space<vmem>>, vector<16xi32>,
      %add3A_363 = arith.constant 208 : i32
      %add3A_364 = vector.broadcast %add3A_363 : i32 to vector<16xi32>
      %add3A_365 = arith.addi %iota3A, %add3A_364 : vector<16xi32>
      %gather3A_366 = tpu.vector_load_idx %arg6[%add3A_365, %broadcast_in_dim3A] : memref<512x32xi32, #tpu.memory_space<vmem>>[vector<16xi32>, vector<16xi32>], vector<16xi32>,
      %swap3A_367 = arith.index_cast %scan3A_273 : i32 to index
      %swap3A_368 = arith.constant 208 : index
      %swap3A_369 = tpu.vector_load %arg7[%swap3A_367, %swap3A_368] {strides = array<i32>} : memref<26x512xi32, #tpu.memory_space<vmem>>, vector<16xi32>,
      tpu.vector_store %arg7[%swap3A_367, %swap3A_368], %gather3A_366 {strides = array<i32>} : memref<26x512xi32, #tpu.memory_space<vmem>>, vector<16xi32>,
      %add3A_370 = arith.constant 224 : i32
      %add3A_371 = vector.broadcast %add3A_370 : i32 to vector<16xi32>
      %add3A_372 = arith.addi %iota3A, %add3A_371 : vector<16xi32>
      %gather3A_373 = tpu.vector_load_idx %arg6[%add3A_372, %broadcast_in_dim3A] : memref<512x32xi32, #tpu.memory_space<vmem>>[vector<16xi32>, vector<16xi32>], vector<16xi32>,
      %swap3A_374 = arith.index_cast %scan3A_273 : i32 to index
      %swap3A_375 = arith.constant 224 : index
      %swap3A_376 = tpu.vector_load %arg7[%swap3A_374, %swap3A_375] {strides = array<i32>} : memref<26x512xi32, #tpu.memory_space<vmem>>, vector<16xi32>,
      tpu.vector_store %arg7[%swap3A_374, %swap3A_375], %gather3A_373 {strides = array<i32>} : memref<26x512xi32, #tpu.memory_space<vmem>>, vector<16xi32>,
      %add3A_377 = arith.constant 240 : i32
      %add3A_378 = vector.broadcast %add3A_377 : i32 to vector<16xi32>
      %add3A_379 = arith.addi %iota3A, %add3A_378 : vector<16xi32>
      %gather3A_380 = tpu.vector_load_idx %arg6[%add3A_379, %broadcast_in_dim3A] : memref<512x32xi32, #tpu.memory_space<vmem>>[vector<16xi32>, vector<16xi32>], vector<16xi32>,
      %swap3A_381 = arith.index_cast %scan3A_273 : i32 to index
      %swap3A_382 = arith.constant 240 : index
      %swap3A_383 = tpu.vector_load %arg7[%swap3A_381, %swap3A_382] {strides = array<i32>} : memref<26x512xi32, #tpu.memory_space<vmem>>, vector<16xi32>,
      tpu.vector_store %arg7[%swap3A_381, %swap3A_382], %gather3A_380 {strides = array<i32>} : memref<26x512xi32, #tpu.memory_space<vmem>>, vector<16xi32>,
      %add3A_384 = arith.constant 256 : i32
      %add3A_385 = vector.broadcast %add3A_384 : i32 to vector<16xi32>
      %add3A_386 = arith.addi %iota3A, %add3A_385 : vector<16xi32>
      %gather3A_387 = tpu.vector_load_idx %arg6[%add3A_386, %broadcast_in_dim3A] : memref<512x32xi32, #tpu.memory_space<vmem>>[vector<16xi32>, vector<16xi32>], vector<16xi32>,
      %swap3A_388 = arith.index_cast %scan3A_273 : i32 to index
      %swap3A_389 = arith.constant 256 : index
      %swap3A_390 = tpu.vector_load %arg7[%swap3A_388, %swap3A_389] {strides = array<i32>} : memref<26x512xi32, #tpu.memory_space<vmem>>, vector<16xi32>,
      tpu.vector_store %arg7[%swap3A_388, %swap3A_389], %gather3A_387 {strides = array<i32>} : memref<26x512xi32, #tpu.memory_space<vmem>>, vector<16xi32>,
      %add3A_391 = arith.constant 272 : i32
      %add3A_392 = vector.broadcast %add3A_391 : i32 to vector<16xi32>
      %add3A_393 = arith.addi %iota3A, %add3A_392 : vector<16xi32>
      %gather3A_394 = tpu.vector_load_idx %arg6[%add3A_393, %broadcast_in_dim3A] : memref<512x32xi32, #tpu.memory_space<vmem>>[vector<16xi32>, vector<16xi32>], vector<16xi32>,
      %swap3A_395 = arith.index_cast %scan3A_273 : i32 to index
      %swap3A_396 = arith.constant 272 : index
      %swap3A_397 = tpu.vector_load %arg7[%swap3A_395, %swap3A_396] {strides = array<i32>} : memref<26x512xi32, #tpu.memory_space<vmem>>, vector<16xi32>,
      tpu.vector_store %arg7[%swap3A_395, %swap3A_396], %gather3A_394 {strides = array<i32>} : memref<26x512xi32, #tpu.memory_space<vmem>>, vector<16xi32>,
      %add3A_398 = arith.constant 288 : i32
      %add3A_399 = vector.broadcast %add3A_398 : i32 to vector<16xi32>
      %add3A_400 = arith.addi %iota3A, %add3A_399 : vector<16xi32>
      %gather3A_401 = tpu.vector_load_idx %arg6[%add3A_400, %broadcast_in_dim3A] : memref<512x32xi32, #tpu.memory_space<vmem>>[vector<16xi32>, vector<16xi32>], vector<16xi32>,
      %swap3A_402 = arith.index_cast %scan3A_273 : i32 to index
      %swap3A_403 = arith.constant 288 : index
      %swap3A_404 = tpu.vector_load %arg7[%swap3A_402, %swap3A_403] {strides = array<i32>} : memref<26x512xi32, #tpu.memory_space<vmem>>, vector<16xi32>,
      tpu.vector_store %arg7[%swap3A_402, %swap3A_403], %gather3A_401 {strides = array<i32>} : memref<26x512xi32, #tpu.memory_space<vmem>>, vector<16xi32>,
      %add3A_405 = arith.constant 304 : i32
      %add3A_406 = vector.broadcast %add3A_405 : i32 to vector<16xi32>
      %add3A_407 = arith.addi %iota3A, %add3A_406 : vector<16xi32>
      %gather3A_408 = tpu.vector_load_idx %arg6[%add3A_407, %broadcast_in_dim3A] : memref<512x32xi32, #tpu.memory_space<vmem>>[vector<16xi32>, vector<16xi32>], vector<16xi32>,
      %swap3A_409 = arith.index_cast %scan3A_273 : i32 to index
      %swap3A_410 = arith.constant 304 : index
      %swap3A_411 = tpu.vector_load %arg7[%swap3A_409, %swap3A_410] {strides = array<i32>} : memref<26x512xi32, #tpu.memory_space<vmem>>, vector<16xi32>,
      tpu.vector_store %arg7[%swap3A_409, %swap3A_410], %gather3A_408 {strides = array<i32>} : memref<26x512xi32, #tpu.memory_space<vmem>>, vector<16xi32>,
      %add3A_412 = arith.constant 320 : i32
      %add3A_413 = vector.broadcast %add3A_412 : i32 to vector<16xi32>
      %add3A_414 = arith.addi %iota3A, %add3A_413 : vector<16xi32>
      %gather3A_415 = tpu.vector_load_idx %arg6[%add3A_414, %broadcast_in_dim3A] : memref<512x32xi32, #tpu.memory_space<vmem>>[vector<16xi32>, vector<16xi32>], vector<16xi32>,
      %swap3A_416 = arith.index_cast %scan3A_273 : i32 to index
      %swap3A_417 = arith.constant 320 : index
      %swap3A_418 = tpu.vector_load %arg7[%swap3A_416, %swap3A_417] {strides = array<i32>} : memref<26x512xi32, #tpu.memory_space<vmem>>, vector<16xi32>,
      tpu.vector_store %arg7[%swap3A_416, %swap3A_417], %gather3A_415 {strides = array<i32>} : memref<26x512xi32, #tpu.memory_space<vmem>>, vector<16xi32>,
      %add3A_419 = arith.constant 336 : i32
      %add3A_420 = vector.broadcast %add3A_419 : i32 to vector<16xi32>
      %add3A_421 = arith.addi %iota3A, %add3A_420 : vector<16xi32>
      %gather3A_422 = tpu.vector_load_idx %arg6[%add3A_421, %broadcast_in_dim3A] : memref<512x32xi32, #tpu.memory_space<vmem>>[vector<16xi32>, vector<16xi32>], vector<16xi32>,
      %swap3A_423 = arith.index_cast %scan3A_273 : i32 to index
      %swap3A_424 = arith.constant 336 : index
      %swap3A_425 = tpu.vector_load %arg7[%swap3A_423, %swap3A_424] {strides = array<i32>} : memref<26x512xi32, #tpu.memory_space<vmem>>, vector<16xi32>,
      tpu.vector_store %arg7[%swap3A_423, %swap3A_424], %gather3A_422 {strides = array<i32>} : memref<26x512xi32, #tpu.memory_space<vmem>>, vector<16xi32>,
      %add3A_426 = arith.constant 352 : i32
      %add3A_427 = vector.broadcast %add3A_426 : i32 to vector<16xi32>
      %add3A_428 = arith.addi %iota3A, %add3A_427 : vector<16xi32>
      %gather3A_429 = tpu.vector_load_idx %arg6[%add3A_428, %broadcast_in_dim3A] : memref<512x32xi32, #tpu.memory_space<vmem>>[vector<16xi32>, vector<16xi32>], vector<16xi32>,
      %swap3A_430 = arith.index_cast %scan3A_273 : i32 to index
      %swap3A_431 = arith.constant 352 : index
      %swap3A_432 = tpu.vector_load %arg7[%swap3A_430, %swap3A_431] {strides = array<i32>} : memref<26x512xi32, #tpu.memory_space<vmem>>, vector<16xi32>,
      tpu.vector_store %arg7[%swap3A_430, %swap3A_431], %gather3A_429 {strides = array<i32>} : memref<26x512xi32, #tpu.memory_space<vmem>>, vector<16xi32>,
      %add3A_433 = arith.constant 368 : i32
      %add3A_434 = vector.broadcast %add3A_433 : i32 to vector<16xi32>
      %add3A_435 = arith.addi %iota3A, %add3A_434 : vector<16xi32>
      %gather3A_436 = tpu.vector_load_idx %arg6[%add3A_435, %broadcast_in_dim3A] : memref<512x32xi32, #tpu.memory_space<vmem>>[vector<16xi32>, vector<16xi32>], vector<16xi32>,
      %swap3A_437 = arith.index_cast %scan3A_273 : i32 to index
      %swap3A_438 = arith.constant 368 : index
      %swap3A_439 = tpu.vector_load %arg7[%swap3A_437, %swap3A_438] {strides = array<i32>} : memref<26x512xi32, #tpu.memory_space<vmem>>, vector<16xi32>,
      tpu.vector_store %arg7[%swap3A_437, %swap3A_438], %gather3A_436 {strides = array<i32>} : memref<26x512xi32, #tpu.memory_space<vmem>>, vector<16xi32>,
      %add3A_440 = arith.constant 384 : i32
      %add3A_441 = vector.broadcast %add3A_440 : i32 to vector<16xi32>
      %add3A_442 = arith.addi %iota3A, %add3A_441 : vector<16xi32>
      %gather3A_443 = tpu.vector_load_idx %arg6[%add3A_442, %broadcast_in_dim3A] : memref<512x32xi32, #tpu.memory_space<vmem>>[vector<16xi32>, vector<16xi32>], vector<16xi32>,
      %swap3A_444 = arith.index_cast %scan3A_273 : i32 to index
      %swap3A_445 = arith.constant 384 : index
      %swap3A_446 = tpu.vector_load %arg7[%swap3A_444, %swap3A_445] {strides = array<i32>} : memref<26x512xi32, #tpu.memory_space<vmem>>, vector<16xi32>,
      tpu.vector_store %arg7[%swap3A_444, %swap3A_445], %gather3A_443 {strides = array<i32>} : memref<26x512xi32, #tpu.memory_space<vmem>>, vector<16xi32>,
      %add3A_447 = arith.constant 400 : i32
      %add3A_448 = vector.broadcast %add3A_447 : i32 to vector<16xi32>
      %add3A_449 = arith.addi %iota3A, %add3A_448 : vector<16xi32>
      %gather3A_450 = tpu.vector_load_idx %arg6[%add3A_449, %broadcast_in_dim3A] : memref<512x32xi32, #tpu.memory_space<vmem>>[vector<16xi32>, vector<16xi32>], vector<16xi32>,
      %swap3A_451 = arith.index_cast %scan3A_273 : i32 to index
      %swap3A_452 = arith.constant 400 : index
      %swap3A_453 = tpu.vector_load %arg7[%swap3A_451, %swap3A_452] {strides = array<i32>} : memref<26x512xi32, #tpu.memory_space<vmem>>, vector<16xi32>,
      tpu.vector_store %arg7[%swap3A_451, %swap3A_452], %gather3A_450 {strides = array<i32>} : memref<26x512xi32, #tpu.memory_space<vmem>>, vector<16xi32>,
      %add3A_454 = arith.constant 416 : i32
      %add3A_455 = vector.broadcast %add3A_454 : i32 to vector<16xi32>
      %add3A_456 = arith.addi %iota3A, %add3A_455 : vector<16xi32>
      %gather3A_457 = tpu.vector_load_idx %arg6[%add3A_456, %broadcast_in_dim3A] : memref<512x32xi32, #tpu.memory_space<vmem>>[vector<16xi32>, vector<16xi32>], vector<16xi32>,
      %swap3A_458 = arith.index_cast %scan3A_273 : i32 to index
      %swap3A_459 = arith.constant 416 : index
      %swap3A_460 = tpu.vector_load %arg7[%swap3A_458, %swap3A_459] {strides = array<i32>} : memref<26x512xi32, #tpu.memory_space<vmem>>, vector<16xi32>,
      tpu.vector_store %arg7[%swap3A_458, %swap3A_459], %gather3A_457 {strides = array<i32>} : memref<26x512xi32, #tpu.memory_space<vmem>>, vector<16xi32>,
      %add3A_461 = arith.constant 432 : i32
      %add3A_462 = vector.broadcast %add3A_461 : i32 to vector<16xi32>
      %add3A_463 = arith.addi %iota3A, %add3A_462 : vector<16xi32>
      %gather3A_464 = tpu.vector_load_idx %arg6[%add3A_463, %broadcast_in_dim3A] : memref<512x32xi32, #tpu.memory_space<vmem>>[vector<16xi32>, vector<16xi32>], vector<16xi32>,
      %swap3A_465 = arith.index_cast %scan3A_273 : i32 to index
      %swap3A_466 = arith.constant 432 : index
      %swap3A_467 = tpu.vector_load %arg7[%swap3A_465, %swap3A_466] {strides = array<i32>} : memref<26x512xi32, #tpu.memory_space<vmem>>, vector<16xi32>,
      tpu.vector_store %arg7[%swap3A_465, %swap3A_466], %gather3A_464 {strides = array<i32>} : memref<26x512xi32, #tpu.memory_space<vmem>>, vector<16xi32>,
      %add3A_468 = arith.constant 448 : i32
      %add3A_469 = vector.broadcast %add3A_468 : i32 to vector<16xi32>
      %add3A_470 = arith.addi %iota3A, %add3A_469 : vector<16xi32>
      %gather3A_471 = tpu.vector_load_idx %arg6[%add3A_470, %broadcast_in_dim3A] : memref<512x32xi32, #tpu.memory_space<vmem>>[vector<16xi32>, vector<16xi32>], vector<16xi32>,
      %swap3A_472 = arith.index_cast %scan3A_273 : i32 to index
      %swap3A_473 = arith.constant 448 : index
      %swap3A_474 = tpu.vector_load %arg7[%swap3A_472, %swap3A_473] {strides = array<i32>} : memref<26x512xi32, #tpu.memory_space<vmem>>, vector<16xi32>,
      tpu.vector_store %arg7[%swap3A_472, %swap3A_473], %gather3A_471 {strides = array<i32>} : memref<26x512xi32, #tpu.memory_space<vmem>>, vector<16xi32>,
      %add3A_475 = arith.constant 464 : i32
      %add3A_476 = vector.broadcast %add3A_475 : i32 to vector<16xi32>
      %add3A_477 = arith.addi %iota3A, %add3A_476 : vector<16xi32>
      %gather3A_478 = tpu.vector_load_idx %arg6[%add3A_477, %broadcast_in_dim3A] : memref<512x32xi32, #tpu.memory_space<vmem>>[vector<16xi32>, vector<16xi32>], vector<16xi32>,
      %swap3A_479 = arith.index_cast %scan3A_273 : i32 to index
      %swap3A_480 = arith.constant 464 : index
      %swap3A_481 = tpu.vector_load %arg7[%swap3A_479, %swap3A_480] {strides = array<i32>} : memref<26x512xi32, #tpu.memory_space<vmem>>, vector<16xi32>,
      tpu.vector_store %arg7[%swap3A_479, %swap3A_480], %gather3A_478 {strides = array<i32>} : memref<26x512xi32, #tpu.memory_space<vmem>>, vector<16xi32>,
      %add3A_482 = arith.constant 480 : i32
      %add3A_483 = vector.broadcast %add3A_482 : i32 to vector<16xi32>
      %add3A_484 = arith.addi %iota3A, %add3A_483 : vector<16xi32>
      %gather3A_485 = tpu.vector_load_idx %arg6[%add3A_484, %broadcast_in_dim3A] : memref<512x32xi32, #tpu.memory_space<vmem>>[vector<16xi32>, vector<16xi32>], vector<16xi32>,
      %swap3A_486 = arith.index_cast %scan3A_273 : i32 to index
      %swap3A_487 = arith.constant 480 : index
      %swap3A_488 = tpu.vector_load %arg7[%swap3A_486, %swap3A_487] {strides = array<i32>} : memref<26x512xi32, #tpu.memory_space<vmem>>, vector<16xi32>,
      tpu.vector_store %arg7[%swap3A_486, %swap3A_487], %gather3A_485 {strides = array<i32>} : memref<26x512xi32, #tpu.memory_space<vmem>>, vector<16xi32>,
      %add3A_489 = arith.constant 496 : i32
      %add3A_490 = vector.broadcast %add3A_489 : i32 to vector<16xi32>
      %add3A_491 = arith.addi %iota3A, %add3A_490 : vector<16xi32>
      %gather3A_492 = tpu.vector_load_idx %arg6[%add3A_491, %broadcast_in_dim3A] : memref<512x32xi32, #tpu.memory_space<vmem>>[vector<16xi32>, vector<16xi32>], vector<16xi32>,
      %swap3A_493 = arith.index_cast %scan3A_273 : i32 to index
      %swap3A_494 = arith.constant 496 : index
      %swap3A_495 = tpu.vector_load %arg7[%swap3A_493, %swap3A_494] {strides = array<i32>} : memref<26x512xi32, #tpu.memory_space<vmem>>, vector<16xi32>,
      tpu.vector_store %arg7[%swap3A_493, %swap3A_494], %gather3A_492 {strides = array<i32>} : memref<26x512xi32, #tpu.memory_space<vmem>>, vector<16xi32>,
      %dma_start3A = arith.constant 0 : i32
      %dma_start3A_496 = tpu.memref_slice %arg8[%scan3A_273, %dma_start3A] : memref<26x512xf32, #tpu.memory_space<vmem>> -> memref<1x512xf32, #tpu.memory_space<vmem>>
      %dma_start3A_497 = tpu.memref_squeeze %dma_start3A_496 : memref<1x512xf32, #tpu.memory_space<vmem>> -> memref<512xf32, #tpu.memory_space<vmem>>
      %dma_start3A_498 = arith.constant 0 : i32
      %dma_start3A_499 = tpu.memref_slice %arg7[%scan3A_273, %dma_start3A_498] : memref<26x512xi32, #tpu.memory_space<vmem>> -> memref<1x512xi32, #tpu.memory_space<vmem>>
      %dma_start3A_500 = tpu.memref_squeeze %dma_start3A_499 : memref<1x512xi32, #tpu.memory_space<vmem>> -> memref<512xi32, #tpu.memory_space<vmem>>
      %dma_start3A_501 = arith.constant 0 : i32
      %dma_start3A_502 = tpu.memref_slice %arg2[%dma_start3A_501] : memref<2662400xf32, #tpu.memory_space<hbm>> -> memref<2662400xf32, #tpu.memory_space<hbm>>
      tpu.enqueue_indirect_dma source(%dma_start3A_502 : memref<2662400xf32, #tpu.memory_space<hbm>>) target(%dma_start3A_497 : memref<512xf32, #tpu.memory_space<vmem>>) offsets(%dma_start3A_500 : memref<512xi32, #tpu.memory_space<vmem>>) semaphore(%arg10 : memref<!tpu.dma_semaphore, #tpu.memory_space<semaphore_mem>>)
    }
    %scan3A_7 = arith.constant 26 : i32
    "tpu.region"() ({
      %run_scoped3A = tpu.sem_alloc : memref<!tpu.dma_semaphore, #tpu.memory_space<semaphore_mem>>
      %dma_start3A = tpu.memref_slice %arg4[%multiple_of3A] : memref<16384xf32, #tpu.memory_space<hbm>> -> memref<512xf32, #tpu.memory_space<hbm>>
      %dma_start3A_273 = tpu.memref_slice %arg4[%multiple_of3A] : memref<16384xf32, #tpu.memory_space<hbm>> -> memref<512xf32, #tpu.memory_space<hbm>>
      tpu.enqueue_dma source(%dma_start3A_273 : memref<512xf32, #tpu.memory_space<hbm>>) target(%arg9 : memref<512xf32, #tpu.memory_space<vmem>>) target_semaphore(%run_scoped3A : memref<!tpu.dma_semaphore, #tpu.memory_space<semaphore_mem>>)
      %dma_wait3A_274 = tpu.memref_slice %arg4[%multiple_of3A] : memref<16384xf32, #tpu.memory_space<hbm>> -> memref<512xf32, #tpu.memory_space<hbm>>
      %dma_wait3A_275 = tpu.memref_slice %arg4[%multiple_of3A] : memref<16384xf32, #tpu.memory_space<hbm>> -> memref<512xf32, #tpu.memory_space<hbm>>
      tpu.wait_dma2 semaphore(%run_scoped3A : memref<!tpu.dma_semaphore, #tpu.memory_space<semaphore_mem>>) src(%dma_wait3A_275 : memref<512xf32, #tpu.memory_space<hbm>>) dst(%arg9 : memref<512xf32, #tpu.memory_space<vmem>>)
      tpu.yield
    }) : () -> ()
    %dma_wait3A = arith.constant 0 : i32
    %dma_wait3A_8 = arith.constant 0 : i32
    %dma_wait3A_9 = arith.constant 0 : i32
    %dma_wait3A_10 = tpu.memref_slice %arg8[%dma_wait3A_8, %dma_wait3A_9] : memref<26x512xf32, #tpu.memory_space<vmem>> -> memref<1x512xf32, #tpu.memory_space<vmem>>
    %dma_wait3A_11 = tpu.memref_squeeze %dma_wait3A_10 : memref<1x512xf32, #tpu.memory_space<vmem>> -> memref<512xf32, #tpu.memory_space<vmem>>
    %dma_wait3A_12 = arith.constant 0 : i32
    %dma_wait3A_13 = tpu.memref_slice %arg7[%dma_wait3A, %dma_wait3A_12] : memref<26x512xi32, #tpu.memory_space<vmem>> -> memref<1x512xi32, #tpu.memory_space<vmem>>
    %dma_wait3A_14 = tpu.memref_squeeze %dma_wait3A_13 : memref<1x512xi32, #tpu.memory_space<vmem>> -> memref<512xi32, #tpu.memory_space<vmem>>
    %dma_wait3A_15 = arith.constant 0 : i32
    %dma_wait3A_16 = tpu.memref_slice %arg2[%dma_wait3A_15] : memref<2662400xf32, #tpu.memory_space<hbm>> -> memref<2662400xf32, #tpu.memory_space<hbm>>
    tpu.wait_indirect_dma semaphore(%arg10 : memref<!tpu.dma_semaphore, #tpu.memory_space<semaphore_mem>>) src(%dma_wait3A_16 : memref<2662400xf32, #tpu.memory_space<hbm>>) dst(%dma_wait3A_11 : memref<512xf32, #tpu.memory_space<vmem>>)
    %dma_wait3A_17 = arith.constant 1 : i32
    %dma_wait3A_18 = arith.constant 1 : i32
    %dma_wait3A_19 = arith.constant 0 : i32
    %dma_wait3A_20 = tpu.memref_slice %arg8[%dma_wait3A_18, %dma_wait3A_19] : memref<26x512xf32, #tpu.memory_space<vmem>> -> memref<1x512xf32, #tpu.memory_space<vmem>>
    %dma_wait3A_21 = tpu.memref_squeeze %dma_wait3A_20 : memref<1x512xf32, #tpu.memory_space<vmem>> -> memref<512xf32, #tpu.memory_space<vmem>>
    %dma_wait3A_22 = arith.constant 0 : i32
    %dma_wait3A_23 = tpu.memref_slice %arg7[%dma_wait3A_17, %dma_wait3A_22] : memref<26x512xi32, #tpu.memory_space<vmem>> -> memref<1x512xi32, #tpu.memory_space<vmem>>
    %dma_wait3A_24 = tpu.memref_squeeze %dma_wait3A_23 : memref<1x512xi32, #tpu.memory_space<vmem>> -> memref<512xi32, #tpu.memory_space<vmem>>
    %dma_wait3A_25 = arith.constant 0 : i32
    %dma_wait3A_26 = tpu.memref_slice %arg2[%dma_wait3A_25] : memref<2662400xf32, #tpu.memory_space<hbm>> -> memref<2662400xf32, #tpu.memory_space<hbm>>
    tpu.wait_indirect_dma semaphore(%arg10 : memref<!tpu.dma_semaphore, #tpu.memory_space<semaphore_mem>>) src(%dma_wait3A_26 : memref<2662400xf32, #tpu.memory_space<hbm>>) dst(%dma_wait3A_21 : memref<512xf32, #tpu.memory_space<vmem>>)
    %dma_wait3A_27 = arith.constant 2 : i32
    %dma_wait3A_28 = arith.constant 2 : i32
    %dma_wait3A_29 = arith.constant 0 : i32
    %dma_wait3A_30 = tpu.memref_slice %arg8[%dma_wait3A_28, %dma_wait3A_29] : memref<26x512xf32, #tpu.memory_space<vmem>> -> memref<1x512xf32, #tpu.memory_space<vmem>>
    %dma_wait3A_31 = tpu.memref_squeeze %dma_wait3A_30 : memref<1x512xf32, #tpu.memory_space<vmem>> -> memref<512xf32, #tpu.memory_space<vmem>>
    %dma_wait3A_32 = arith.constant 0 : i32
    %dma_wait3A_33 = tpu.memref_slice %arg7[%dma_wait3A_27, %dma_wait3A_32] : memref<26x512xi32, #tpu.memory_space<vmem>> -> memref<1x512xi32, #tpu.memory_space<vmem>>
    %dma_wait3A_34 = tpu.memref_squeeze %dma_wait3A_33 : memref<1x512xi32, #tpu.memory_space<vmem>> -> memref<512xi32, #tpu.memory_space<vmem>>
    %dma_wait3A_35 = arith.constant 0 : i32
    %dma_wait3A_36 = tpu.memref_slice %arg2[%dma_wait3A_35] : memref<2662400xf32, #tpu.memory_space<hbm>> -> memref<2662400xf32, #tpu.memory_space<hbm>>
    tpu.wait_indirect_dma semaphore(%arg10 : memref<!tpu.dma_semaphore, #tpu.memory_space<semaphore_mem>>) src(%dma_wait3A_36 : memref<2662400xf32, #tpu.memory_space<hbm>>) dst(%dma_wait3A_31 : memref<512xf32, #tpu.memory_space<vmem>>)
    %dma_wait3A_37 = arith.constant 3 : i32
    %dma_wait3A_38 = arith.constant 3 : i32
    %dma_wait3A_39 = arith.constant 0 : i32
    %dma_wait3A_40 = tpu.memref_slice %arg8[%dma_wait3A_38, %dma_wait3A_39] : memref<26x512xf32, #tpu.memory_space<vmem>> -> memref<1x512xf32, #tpu.memory_space<vmem>>
    %dma_wait3A_41 = tpu.memref_squeeze %dma_wait3A_40 : memref<1x512xf32, #tpu.memory_space<vmem>> -> memref<512xf32, #tpu.memory_space<vmem>>
    %dma_wait3A_42 = arith.constant 0 : i32
    %dma_wait3A_43 = tpu.memref_slice %arg7[%dma_wait3A_37, %dma_wait3A_42] : memref<26x512xi32, #tpu.memory_space<vmem>> -> memref<1x512xi32, #tpu.memory_space<vmem>>
    %dma_wait3A_44 = tpu.memref_squeeze %dma_wait3A_43 : memref<1x512xi32, #tpu.memory_space<vmem>> -> memref<512xi32, #tpu.memory_space<vmem>>
    %dma_wait3A_45 = arith.constant 0 : i32
    %dma_wait3A_46 = tpu.memref_slice %arg2[%dma_wait3A_45] : memref<2662400xf32, #tpu.memory_space<hbm>> -> memref<2662400xf32, #tpu.memory_space<hbm>>
    tpu.wait_indirect_dma semaphore(%arg10 : memref<!tpu.dma_semaphore, #tpu.memory_space<semaphore_mem>>) src(%dma_wait3A_46 : memref<2662400xf32, #tpu.memory_space<hbm>>) dst(%dma_wait3A_41 : memref<512xf32, #tpu.memory_space<vmem>>)
    %dma_wait3A_47 = arith.constant 4 : i32
    %dma_wait3A_48 = arith.constant 4 : i32
    %dma_wait3A_49 = arith.constant 0 : i32
    %dma_wait3A_50 = tpu.memref_slice %arg8[%dma_wait3A_48, %dma_wait3A_49] : memref<26x512xf32, #tpu.memory_space<vmem>> -> memref<1x512xf32, #tpu.memory_space<vmem>>
    %dma_wait3A_51 = tpu.memref_squeeze %dma_wait3A_50 : memref<1x512xf32, #tpu.memory_space<vmem>> -> memref<512xf32, #tpu.memory_space<vmem>>
    %dma_wait3A_52 = arith.constant 0 : i32
    %dma_wait3A_53 = tpu.memref_slice %arg7[%dma_wait3A_47, %dma_wait3A_52] : memref<26x512xi32, #tpu.memory_space<vmem>> -> memref<1x512xi32, #tpu.memory_space<vmem>>
    %dma_wait3A_54 = tpu.memref_squeeze %dma_wait3A_53 : memref<1x512xi32, #tpu.memory_space<vmem>> -> memref<512xi32, #tpu.memory_space<vmem>>
    %dma_wait3A_55 = arith.constant 0 : i32
    %dma_wait3A_56 = tpu.memref_slice %arg2[%dma_wait3A_55] : memref<2662400xf32, #tpu.memory_space<hbm>> -> memref<2662400xf32, #tpu.memory_space<hbm>>
    tpu.wait_indirect_dma semaphore(%arg10 : memref<!tpu.dma_semaphore, #tpu.memory_space<semaphore_mem>>) src(%dma_wait3A_56 : memref<2662400xf32, #tpu.memory_space<hbm>>) dst(%dma_wait3A_51 : memref<512xf32, #tpu.memory_space<vmem>>)
    %dma_wait3A_57 = arith.constant 5 : i32
    %dma_wait3A_58 = arith.constant 5 : i32
    %dma_wait3A_59 = arith.constant 0 : i32
    %dma_wait3A_60 = tpu.memref_slice %arg8[%dma_wait3A_58, %dma_wait3A_59] : memref<26x512xf32, #tpu.memory_space<vmem>> -> memref<1x512xf32, #tpu.memory_space<vmem>>
    %dma_wait3A_61 = tpu.memref_squeeze %dma_wait3A_60 : memref<1x512xf32, #tpu.memory_space<vmem>> -> memref<512xf32, #tpu.memory_space<vmem>>
    %dma_wait3A_62 = arith.constant 0 : i32
    %dma_wait3A_63 = tpu.memref_slice %arg7[%dma_wait3A_57, %dma_wait3A_62] : memref<26x512xi32, #tpu.memory_space<vmem>> -> memref<1x512xi32, #tpu.memory_space<vmem>>
    %dma_wait3A_64 = tpu.memref_squeeze %dma_wait3A_63 : memref<1x512xi32, #tpu.memory_space<vmem>> -> memref<512xi32, #tpu.memory_space<vmem>>
    %dma_wait3A_65 = arith.constant 0 : i32
    %dma_wait3A_66 = tpu.memref_slice %arg2[%dma_wait3A_65] : memref<2662400xf32, #tpu.memory_space<hbm>> -> memref<2662400xf32, #tpu.memory_space<hbm>>
    tpu.wait_indirect_dma semaphore(%arg10 : memref<!tpu.dma_semaphore, #tpu.memory_space<semaphore_mem>>) src(%dma_wait3A_66 : memref<2662400xf32, #tpu.memory_space<hbm>>) dst(%dma_wait3A_61 : memref<512xf32, #tpu.memory_space<vmem>>)
    %dma_wait3A_67 = arith.constant 6 : i32
    %dma_wait3A_68 = arith.constant 6 : i32
    %dma_wait3A_69 = arith.constant 0 : i32
    %dma_wait3A_70 = tpu.memref_slice %arg8[%dma_wait3A_68, %dma_wait3A_69] : memref<26x512xf32, #tpu.memory_space<vmem>> -> memref<1x512xf32, #tpu.memory_space<vmem>>
    %dma_wait3A_71 = tpu.memref_squeeze %dma_wait3A_70 : memref<1x512xf32, #tpu.memory_space<vmem>> -> memref<512xf32, #tpu.memory_space<vmem>>
    %dma_wait3A_72 = arith.constant 0 : i32
    %dma_wait3A_73 = tpu.memref_slice %arg7[%dma_wait3A_67, %dma_wait3A_72] : memref<26x512xi32, #tpu.memory_space<vmem>> -> memref<1x512xi32, #tpu.memory_space<vmem>>
    %dma_wait3A_74 = tpu.memref_squeeze %dma_wait3A_73 : memref<1x512xi32, #tpu.memory_space<vmem>> -> memref<512xi32, #tpu.memory_space<vmem>>
    %dma_wait3A_75 = arith.constant 0 : i32
    %dma_wait3A_76 = tpu.memref_slice %arg2[%dma_wait3A_75] : memref<2662400xf32, #tpu.memory_space<hbm>> -> memref<2662400xf32, #tpu.memory_space<hbm>>
    tpu.wait_indirect_dma semaphore(%arg10 : memref<!tpu.dma_semaphore, #tpu.memory_space<semaphore_mem>>) src(%dma_wait3A_76 : memref<2662400xf32, #tpu.memory_space<hbm>>) dst(%dma_wait3A_71 : memref<512xf32, #tpu.memory_space<vmem>>)
    %dma_wait3A_77 = arith.constant 7 : i32
    %dma_wait3A_78 = arith.constant 7 : i32
    %dma_wait3A_79 = arith.constant 0 : i32
    %dma_wait3A_80 = tpu.memref_slice %arg8[%dma_wait3A_78, %dma_wait3A_79] : memref<26x512xf32, #tpu.memory_space<vmem>> -> memref<1x512xf32, #tpu.memory_space<vmem>>
    %dma_wait3A_81 = tpu.memref_squeeze %dma_wait3A_80 : memref<1x512xf32, #tpu.memory_space<vmem>> -> memref<512xf32, #tpu.memory_space<vmem>>
    %dma_wait3A_82 = arith.constant 0 : i32
    %dma_wait3A_83 = tpu.memref_slice %arg7[%dma_wait3A_77, %dma_wait3A_82] : memref<26x512xi32, #tpu.memory_space<vmem>> -> memref<1x512xi32, #tpu.memory_space<vmem>>
    %dma_wait3A_84 = tpu.memref_squeeze %dma_wait3A_83 : memref<1x512xi32, #tpu.memory_space<vmem>> -> memref<512xi32, #tpu.memory_space<vmem>>
    %dma_wait3A_85 = arith.constant 0 : i32
    %dma_wait3A_86 = tpu.memref_slice %arg2[%dma_wait3A_85] : memref<2662400xf32, #tpu.memory_space<hbm>> -> memref<2662400xf32, #tpu.memory_space<hbm>>
    tpu.wait_indirect_dma semaphore(%arg10 : memref<!tpu.dma_semaphore, #tpu.memory_space<semaphore_mem>>) src(%dma_wait3A_86 : memref<2662400xf32, #tpu.memory_space<hbm>>) dst(%dma_wait3A_81 : memref<512xf32, #tpu.memory_space<vmem>>)
    %dma_wait3A_87 = arith.constant 8 : i32
    %dma_wait3A_88 = arith.constant 8 : i32
    %dma_wait3A_89 = arith.constant 0 : i32
    %dma_wait3A_90 = tpu.memref_slice %arg8[%dma_wait3A_88, %dma_wait3A_89] : memref<26x512xf32, #tpu.memory_space<vmem>> -> memref<1x512xf32, #tpu.memory_space<vmem>>
    %dma_wait3A_91 = tpu.memref_squeeze %dma_wait3A_90 : memref<1x512xf32, #tpu.memory_space<vmem>> -> memref<512xf32, #tpu.memory_space<vmem>>
    %dma_wait3A_92 = arith.constant 0 : i32
    %dma_wait3A_93 = tpu.memref_slice %arg7[%dma_wait3A_87, %dma_wait3A_92] : memref<26x512xi32, #tpu.memory_space<vmem>> -> memref<1x512xi32, #tpu.memory_space<vmem>>
    %dma_wait3A_94 = tpu.memref_squeeze %dma_wait3A_93 : memref<1x512xi32, #tpu.memory_space<vmem>> -> memref<512xi32, #tpu.memory_space<vmem>>
    %dma_wait3A_95 = arith.constant 0 : i32
    %dma_wait3A_96 = tpu.memref_slice %arg2[%dma_wait3A_95] : memref<2662400xf32, #tpu.memory_space<hbm>> -> memref<2662400xf32, #tpu.memory_space<hbm>>
    tpu.wait_indirect_dma semaphore(%arg10 : memref<!tpu.dma_semaphore, #tpu.memory_space<semaphore_mem>>) src(%dma_wait3A_96 : memref<2662400xf32, #tpu.memory_space<hbm>>) dst(%dma_wait3A_91 : memref<512xf32, #tpu.memory_space<vmem>>)
    %dma_wait3A_97 = arith.constant 9 : i32
    %dma_wait3A_98 = arith.constant 9 : i32
    %dma_wait3A_99 = arith.constant 0 : i32
    %dma_wait3A_100 = tpu.memref_slice %arg8[%dma_wait3A_98, %dma_wait3A_99] : memref<26x512xf32, #tpu.memory_space<vmem>> -> memref<1x512xf32, #tpu.memory_space<vmem>>
    %dma_wait3A_101 = tpu.memref_squeeze %dma_wait3A_100 : memref<1x512xf32, #tpu.memory_space<vmem>> -> memref<512xf32, #tpu.memory_space<vmem>>
    %dma_wait3A_102 = arith.constant 0 : i32
    %dma_wait3A_103 = tpu.memref_slice %arg7[%dma_wait3A_97, %dma_wait3A_102] : memref<26x512xi32, #tpu.memory_space<vmem>> -> memref<1x512xi32, #tpu.memory_space<vmem>>
    %dma_wait3A_104 = tpu.memref_squeeze %dma_wait3A_103 : memref<1x512xi32, #tpu.memory_space<vmem>> -> memref<512xi32, #tpu.memory_space<vmem>>
    %dma_wait3A_105 = arith.constant 0 : i32
    %dma_wait3A_106 = tpu.memref_slice %arg2[%dma_wait3A_105] : memref<2662400xf32, #tpu.memory_space<hbm>> -> memref<2662400xf32, #tpu.memory_space<hbm>>
    tpu.wait_indirect_dma semaphore(%arg10 : memref<!tpu.dma_semaphore, #tpu.memory_space<semaphore_mem>>) src(%dma_wait3A_106 : memref<2662400xf32, #tpu.memory_space<hbm>>) dst(%dma_wait3A_101 : memref<512xf32, #tpu.memory_space<vmem>>)
    %dma_wait3A_107 = arith.constant 10 : i32
    %dma_wait3A_108 = arith.constant 10 : i32
    %dma_wait3A_109 = arith.constant 0 : i32
    %dma_wait3A_110 = tpu.memref_slice %arg8[%dma_wait3A_108, %dma_wait3A_109] : memref<26x512xf32, #tpu.memory_space<vmem>> -> memref<1x512xf32, #tpu.memory_space<vmem>>
    %dma_wait3A_111 = tpu.memref_squeeze %dma_wait3A_110 : memref<1x512xf32, #tpu.memory_space<vmem>> -> memref<512xf32, #tpu.memory_space<vmem>>
    %dma_wait3A_112 = arith.constant 0 : i32
    %dma_wait3A_113 = tpu.memref_slice %arg7[%dma_wait3A_107, %dma_wait3A_112] : memref<26x512xi32, #tpu.memory_space<vmem>> -> memref<1x512xi32, #tpu.memory_space<vmem>>
    %dma_wait3A_114 = tpu.memref_squeeze %dma_wait3A_113 : memref<1x512xi32, #tpu.memory_space<vmem>> -> memref<512xi32, #tpu.memory_space<vmem>>
    %dma_wait3A_115 = arith.constant 0 : i32
    %dma_wait3A_116 = tpu.memref_slice %arg2[%dma_wait3A_115] : memref<2662400xf32, #tpu.memory_space<hbm>> -> memref<2662400xf32, #tpu.memory_space<hbm>>
    tpu.wait_indirect_dma semaphore(%arg10 : memref<!tpu.dma_semaphore, #tpu.memory_space<semaphore_mem>>) src(%dma_wait3A_116 : memref<2662400xf32, #tpu.memory_space<hbm>>) dst(%dma_wait3A_111 : memref<512xf32, #tpu.memory_space<vmem>>)
    %dma_wait3A_117 = arith.constant 11 : i32
    %dma_wait3A_118 = arith.constant 11 : i32
    %dma_wait3A_119 = arith.constant 0 : i32
    %dma_wait3A_120 = tpu.memref_slice %arg8[%dma_wait3A_118, %dma_wait3A_119] : memref<26x512xf32, #tpu.memory_space<vmem>> -> memref<1x512xf32, #tpu.memory_space<vmem>>
    %dma_wait3A_121 = tpu.memref_squeeze %dma_wait3A_120 : memref<1x512xf32, #tpu.memory_space<vmem>> -> memref<512xf32, #tpu.memory_space<vmem>>
    %dma_wait3A_122 = arith.constant 0 : i32
    %dma_wait3A_123 = tpu.memref_slice %arg7[%dma_wait3A_117, %dma_wait3A_122] : memref<26x512xi32, #tpu.memory_space<vmem>> -> memref<1x512xi32, #tpu.memory_space<vmem>>
    %dma_wait3A_124 = tpu.memref_squeeze %dma_wait3A_123 : memref<1x512xi32, #tpu.memory_space<vmem>> -> memref<512xi32, #tpu.memory_space<vmem>>
    %dma_wait3A_125 = arith.constant 0 : i32
    %dma_wait3A_126 = tpu.memref_slice %arg2[%dma_wait3A_125] : memref<2662400xf32, #tpu.memory_space<hbm>> -> memref<2662400xf32, #tpu.memory_space<hbm>>
    tpu.wait_indirect_dma semaphore(%arg10 : memref<!tpu.dma_semaphore, #tpu.memory_space<semaphore_mem>>) src(%dma_wait3A_126 : memref<2662400xf32, #tpu.memory_space<hbm>>) dst(%dma_wait3A_121 : memref<512xf32, #tpu.memory_space<vmem>>)
    %dma_wait3A_127 = arith.constant 12 : i32
    %dma_wait3A_128 = arith.constant 12 : i32
    %dma_wait3A_129 = arith.constant 0 : i32
    %dma_wait3A_130 = tpu.memref_slice %arg8[%dma_wait3A_128, %dma_wait3A_129] : memref<26x512xf32, #tpu.memory_space<vmem>> -> memref<1x512xf32, #tpu.memory_space<vmem>>
    %dma_wait3A_131 = tpu.memref_squeeze %dma_wait3A_130 : memref<1x512xf32, #tpu.memory_space<vmem>> -> memref<512xf32, #tpu.memory_space<vmem>>
    %dma_wait3A_132 = arith.constant 0 : i32
    %dma_wait3A_133 = tpu.memref_slice %arg7[%dma_wait3A_127, %dma_wait3A_132] : memref<26x512xi32, #tpu.memory_space<vmem>> -> memref<1x512xi32, #tpu.memory_space<vmem>>
    %dma_wait3A_134 = tpu.memref_squeeze %dma_wait3A_133 : memref<1x512xi32, #tpu.memory_space<vmem>> -> memref<512xi32, #tpu.memory_space<vmem>>
    %dma_wait3A_135 = arith.constant 0 : i32
    %dma_wait3A_136 = tpu.memref_slice %arg2[%dma_wait3A_135] : memref<2662400xf32, #tpu.memory_space<hbm>> -> memref<2662400xf32, #tpu.memory_space<hbm>>
    tpu.wait_indirect_dma semaphore(%arg10 : memref<!tpu.dma_semaphore, #tpu.memory_space<semaphore_mem>>) src(%dma_wait3A_136 : memref<2662400xf32, #tpu.memory_space<hbm>>) dst(%dma_wait3A_131 : memref<512xf32, #tpu.memory_space<vmem>>)
    %dma_wait3A_137 = arith.constant 13 : i32
    %dma_wait3A_138 = arith.constant 13 : i32
    %dma_wait3A_139 = arith.constant 0 : i32
    %dma_wait3A_140 = tpu.memref_slice %arg8[%dma_wait3A_138, %dma_wait3A_139] : memref<26x512xf32, #tpu.memory_space<vmem>> -> memref<1x512xf32, #tpu.memory_space<vmem>>
    %dma_wait3A_141 = tpu.memref_squeeze %dma_wait3A_140 : memref<1x512xf32, #tpu.memory_space<vmem>> -> memref<512xf32, #tpu.memory_space<vmem>>
    %dma_wait3A_142 = arith.constant 0 : i32
    %dma_wait3A_143 = tpu.memref_slice %arg7[%dma_wait3A_137, %dma_wait3A_142] : memref<26x512xi32, #tpu.memory_space<vmem>> -> memref<1x512xi32, #tpu.memory_space<vmem>>
    %dma_wait3A_144 = tpu.memref_squeeze %dma_wait3A_143 : memref<1x512xi32, #tpu.memory_space<vmem>> -> memref<512xi32, #tpu.memory_space<vmem>>
    %dma_wait3A_145 = arith.constant 0 : i32
    %dma_wait3A_146 = tpu.memref_slice %arg2[%dma_wait3A_145] : memref<2662400xf32, #tpu.memory_space<hbm>> -> memref<2662400xf32, #tpu.memory_space<hbm>>
    tpu.wait_indirect_dma semaphore(%arg10 : memref<!tpu.dma_semaphore, #tpu.memory_space<semaphore_mem>>) src(%dma_wait3A_146 : memref<2662400xf32, #tpu.memory_space<hbm>>) dst(%dma_wait3A_141 : memref<512xf32, #tpu.memory_space<vmem>>)
    %dma_wait3A_147 = arith.constant 14 : i32
    %dma_wait3A_148 = arith.constant 14 : i32
    %dma_wait3A_149 = arith.constant 0 : i32
    %dma_wait3A_150 = tpu.memref_slice %arg8[%dma_wait3A_148, %dma_wait3A_149] : memref<26x512xf32, #tpu.memory_space<vmem>> -> memref<1x512xf32, #tpu.memory_space<vmem>>
    %dma_wait3A_151 = tpu.memref_squeeze %dma_wait3A_150 : memref<1x512xf32, #tpu.memory_space<vmem>> -> memref<512xf32, #tpu.memory_space<vmem>>
    %dma_wait3A_152 = arith.constant 0 : i32
    %dma_wait3A_153 = tpu.memref_slice %arg7[%dma_wait3A_147, %dma_wait3A_152] : memref<26x512xi32, #tpu.memory_space<vmem>> -> memref<1x512xi32, #tpu.memory_space<vmem>>
    %dma_wait3A_154 = tpu.memref_squeeze %dma_wait3A_153 : memref<1x512xi32, #tpu.memory_space<vmem>> -> memref<512xi32, #tpu.memory_space<vmem>>
    %dma_wait3A_155 = arith.constant 0 : i32
    %dma_wait3A_156 = tpu.memref_slice %arg2[%dma_wait3A_155] : memref<2662400xf32, #tpu.memory_space<hbm>> -> memref<2662400xf32, #tpu.memory_space<hbm>>
    tpu.wait_indirect_dma semaphore(%arg10 : memref<!tpu.dma_semaphore, #tpu.memory_space<semaphore_mem>>) src(%dma_wait3A_156 : memref<2662400xf32, #tpu.memory_space<hbm>>) dst(%dma_wait3A_151 : memref<512xf32, #tpu.memory_space<vmem>>)
    %dma_wait3A_157 = arith.constant 15 : i32
    %dma_wait3A_158 = arith.constant 15 : i32
    %dma_wait3A_159 = arith.constant 0 : i32
    %dma_wait3A_160 = tpu.memref_slice %arg8[%dma_wait3A_158, %dma_wait3A_159] : memref<26x512xf32, #tpu.memory_space<vmem>> -> memref<1x512xf32, #tpu.memory_space<vmem>>
    %dma_wait3A_161 = tpu.memref_squeeze %dma_wait3A_160 : memref<1x512xf32, #tpu.memory_space<vmem>> -> memref<512xf32, #tpu.memory_space<vmem>>
    %dma_wait3A_162 = arith.constant 0 : i32
    %dma_wait3A_163 = tpu.memref_slice %arg7[%dma_wait3A_157, %dma_wait3A_162] : memref<26x512xi32, #tpu.memory_space<vmem>> -> memref<1x512xi32, #tpu.memory_space<vmem>>
    %dma_wait3A_164 = tpu.memref_squeeze %dma_wait3A_163 : memref<1x512xi32, #tpu.memory_space<vmem>> -> memref<512xi32, #tpu.memory_space<vmem>>
    %dma_wait3A_165 = arith.constant 0 : i32
    %dma_wait3A_166 = tpu.memref_slice %arg2[%dma_wait3A_165] : memref<2662400xf32, #tpu.memory_space<hbm>> -> memref<2662400xf32, #tpu.memory_space<hbm>>
    tpu.wait_indirect_dma semaphore(%arg10 : memref<!tpu.dma_semaphore, #tpu.memory_space<semaphore_mem>>) src(%dma_wait3A_166 : memref<2662400xf32, #tpu.memory_space<hbm>>) dst(%dma_wait3A_161 : memref<512xf32, #tpu.memory_space<vmem>>)
    %dma_wait3A_167 = arith.constant 16 : i32
    %dma_wait3A_168 = arith.constant 16 : i32
    %dma_wait3A_169 = arith.constant 0 : i32
    %dma_wait3A_170 = tpu.memref_slice %arg8[%dma_wait3A_168, %dma_wait3A_169] : memref<26x512xf32, #tpu.memory_space<vmem>> -> memref<1x512xf32, #tpu.memory_space<vmem>>
    %dma_wait3A_171 = tpu.memref_squeeze %dma_wait3A_170 : memref<1x512xf32, #tpu.memory_space<vmem>> -> memref<512xf32, #tpu.memory_space<vmem>>
    %dma_wait3A_172 = arith.constant 0 : i32
    %dma_wait3A_173 = tpu.memref_slice %arg7[%dma_wait3A_167, %dma_wait3A_172] : memref<26x512xi32, #tpu.memory_space<vmem>> -> memref<1x512xi32, #tpu.memory_space<vmem>>
    %dma_wait3A_174 = tpu.memref_squeeze %dma_wait3A_173 : memref<1x512xi32, #tpu.memory_space<vmem>> -> memref<512xi32, #tpu.memory_space<vmem>>
    %dma_wait3A_175 = arith.constant 0 : i32
    %dma_wait3A_176 = tpu.memref_slice %arg2[%dma_wait3A_175] : memref<2662400xf32, #tpu.memory_space<hbm>> -> memref<2662400xf32, #tpu.memory_space<hbm>>
    tpu.wait_indirect_dma semaphore(%arg10 : memref<!tpu.dma_semaphore, #tpu.memory_space<semaphore_mem>>) src(%dma_wait3A_176 : memref<2662400xf32, #tpu.memory_space<hbm>>) dst(%dma_wait3A_171 : memref<512xf32, #tpu.memory_space<vmem>>)
    %dma_wait3A_177 = arith.constant 17 : i32
    %dma_wait3A_178 = arith.constant 17 : i32
    %dma_wait3A_179 = arith.constant 0 : i32
    %dma_wait3A_180 = tpu.memref_slice %arg8[%dma_wait3A_178, %dma_wait3A_179] : memref<26x512xf32, #tpu.memory_space<vmem>> -> memref<1x512xf32, #tpu.memory_space<vmem>>
    %dma_wait3A_181 = tpu.memref_squeeze %dma_wait3A_180 : memref<1x512xf32, #tpu.memory_space<vmem>> -> memref<512xf32, #tpu.memory_space<vmem>>
    %dma_wait3A_182 = arith.constant 0 : i32
    %dma_wait3A_183 = tpu.memref_slice %arg7[%dma_wait3A_177, %dma_wait3A_182] : memref<26x512xi32, #tpu.memory_space<vmem>> -> memref<1x512xi32, #tpu.memory_space<vmem>>
    %dma_wait3A_184 = tpu.memref_squeeze %dma_wait3A_183 : memref<1x512xi32, #tpu.memory_space<vmem>> -> memref<512xi32, #tpu.memory_space<vmem>>
    %dma_wait3A_185 = arith.constant 0 : i32
    %dma_wait3A_186 = tpu.memref_slice %arg2[%dma_wait3A_185] : memref<2662400xf32, #tpu.memory_space<hbm>> -> memref<2662400xf32, #tpu.memory_space<hbm>>
    tpu.wait_indirect_dma semaphore(%arg10 : memref<!tpu.dma_semaphore, #tpu.memory_space<semaphore_mem>>) src(%dma_wait3A_186 : memref<2662400xf32, #tpu.memory_space<hbm>>) dst(%dma_wait3A_181 : memref<512xf32, #tpu.memory_space<vmem>>)
    %dma_wait3A_187 = arith.constant 18 : i32
    %dma_wait3A_188 = arith.constant 18 : i32
    %dma_wait3A_189 = arith.constant 0 : i32
    %dma_wait3A_190 = tpu.memref_slice %arg8[%dma_wait3A_188, %dma_wait3A_189] : memref<26x512xf32, #tpu.memory_space<vmem>> -> memref<1x512xf32, #tpu.memory_space<vmem>>
    %dma_wait3A_191 = tpu.memref_squeeze %dma_wait3A_190 : memref<1x512xf32, #tpu.memory_space<vmem>> -> memref<512xf32, #tpu.memory_space<vmem>>
    %dma_wait3A_192 = arith.constant 0 : i32
    %dma_wait3A_193 = tpu.memref_slice %arg7[%dma_wait3A_187, %dma_wait3A_192] : memref<26x512xi32, #tpu.memory_space<vmem>> -> memref<1x512xi32, #tpu.memory_space<vmem>>
    %dma_wait3A_194 = tpu.memref_squeeze %dma_wait3A_193 : memref<1x512xi32, #tpu.memory_space<vmem>> -> memref<512xi32, #tpu.memory_space<vmem>>
    %dma_wait3A_195 = arith.constant 0 : i32
    %dma_wait3A_196 = tpu.memref_slice %arg2[%dma_wait3A_195] : memref<2662400xf32, #tpu.memory_space<hbm>> -> memref<2662400xf32, #tpu.memory_space<hbm>>
    tpu.wait_indirect_dma semaphore(%arg10 : memref<!tpu.dma_semaphore, #tpu.memory_space<semaphore_mem>>) src(%dma_wait3A_196 : memref<2662400xf32, #tpu.memory_space<hbm>>) dst(%dma_wait3A_191 : memref<512xf32, #tpu.memory_space<vmem>>)
    %dma_wait3A_197 = arith.constant 19 : i32
    %dma_wait3A_198 = arith.constant 19 : i32
    %dma_wait3A_199 = arith.constant 0 : i32
    %dma_wait3A_200 = tpu.memref_slice %arg8[%dma_wait3A_198, %dma_wait3A_199] : memref<26x512xf32, #tpu.memory_space<vmem>> -> memref<1x512xf32, #tpu.memory_space<vmem>>
    %dma_wait3A_201 = tpu.memref_squeeze %dma_wait3A_200 : memref<1x512xf32, #tpu.memory_space<vmem>> -> memref<512xf32, #tpu.memory_space<vmem>>
    %dma_wait3A_202 = arith.constant 0 : i32
    %dma_wait3A_203 = tpu.memref_slice %arg7[%dma_wait3A_197, %dma_wait3A_202] : memref<26x512xi32, #tpu.memory_space<vmem>> -> memref<1x512xi32, #tpu.memory_space<vmem>>
    %dma_wait3A_204 = tpu.memref_squeeze %dma_wait3A_203 : memref<1x512xi32, #tpu.memory_space<vmem>> -> memref<512xi32, #tpu.memory_space<vmem>>
    %dma_wait3A_205 = arith.constant 0 : i32
    %dma_wait3A_206 = tpu.memref_slice %arg2[%dma_wait3A_205] : memref<2662400xf32, #tpu.memory_space<hbm>> -> memref<2662400xf32, #tpu.memory_space<hbm>>
    tpu.wait_indirect_dma semaphore(%arg10 : memref<!tpu.dma_semaphore, #tpu.memory_space<semaphore_mem>>) src(%dma_wait3A_206 : memref<2662400xf32, #tpu.memory_space<hbm>>) dst(%dma_wait3A_201 : memref<512xf32, #tpu.memory_space<vmem>>)
    %dma_wait3A_207 = arith.constant 20 : i32
    %dma_wait3A_208 = arith.constant 20 : i32
    %dma_wait3A_209 = arith.constant 0 : i32
    %dma_wait3A_210 = tpu.memref_slice %arg8[%dma_wait3A_208, %dma_wait3A_209] : memref<26x512xf32, #tpu.memory_space<vmem>> -> memref<1x512xf32, #tpu.memory_space<vmem>>
    %dma_wait3A_211 = tpu.memref_squeeze %dma_wait3A_210 : memref<1x512xf32, #tpu.memory_space<vmem>> -> memref<512xf32, #tpu.memory_space<vmem>>
    %dma_wait3A_212 = arith.constant 0 : i32
    %dma_wait3A_213 = tpu.memref_slice %arg7[%dma_wait3A_207, %dma_wait3A_212] : memref<26x512xi32, #tpu.memory_space<vmem>> -> memref<1x512xi32, #tpu.memory_space<vmem>>
    %dma_wait3A_214 = tpu.memref_squeeze %dma_wait3A_213 : memref<1x512xi32, #tpu.memory_space<vmem>> -> memref<512xi32, #tpu.memory_space<vmem>>
    %dma_wait3A_215 = arith.constant 0 : i32
    %dma_wait3A_216 = tpu.memref_slice %arg2[%dma_wait3A_215] : memref<2662400xf32, #tpu.memory_space<hbm>> -> memref<2662400xf32, #tpu.memory_space<hbm>>
    tpu.wait_indirect_dma semaphore(%arg10 : memref<!tpu.dma_semaphore, #tpu.memory_space<semaphore_mem>>) src(%dma_wait3A_216 : memref<2662400xf32, #tpu.memory_space<hbm>>) dst(%dma_wait3A_211 : memref<512xf32, #tpu.memory_space<vmem>>)
    %dma_wait3A_217 = arith.constant 21 : i32
    %dma_wait3A_218 = arith.constant 21 : i32
    %dma_wait3A_219 = arith.constant 0 : i32
    %dma_wait3A_220 = tpu.memref_slice %arg8[%dma_wait3A_218, %dma_wait3A_219] : memref<26x512xf32, #tpu.memory_space<vmem>> -> memref<1x512xf32, #tpu.memory_space<vmem>>
    %dma_wait3A_221 = tpu.memref_squeeze %dma_wait3A_220 : memref<1x512xf32, #tpu.memory_space<vmem>> -> memref<512xf32, #tpu.memory_space<vmem>>
    %dma_wait3A_222 = arith.constant 0 : i32
    %dma_wait3A_223 = tpu.memref_slice %arg7[%dma_wait3A_217, %dma_wait3A_222] : memref<26x512xi32, #tpu.memory_space<vmem>> -> memref<1x512xi32, #tpu.memory_space<vmem>>
    %dma_wait3A_224 = tpu.memref_squeeze %dma_wait3A_223 : memref<1x512xi32, #tpu.memory_space<vmem>> -> memref<512xi32, #tpu.memory_space<vmem>>
    %dma_wait3A_225 = arith.constant 0 : i32
    %dma_wait3A_226 = tpu.memref_slice %arg2[%dma_wait3A_225] : memref<2662400xf32, #tpu.memory_space<hbm>> -> memref<2662400xf32, #tpu.memory_space<hbm>>
    tpu.wait_indirect_dma semaphore(%arg10 : memref<!tpu.dma_semaphore, #tpu.memory_space<semaphore_mem>>) src(%dma_wait3A_226 : memref<2662400xf32, #tpu.memory_space<hbm>>) dst(%dma_wait3A_221 : memref<512xf32, #tpu.memory_space<vmem>>)
    %dma_wait3A_227 = arith.constant 22 : i32
    %dma_wait3A_228 = arith.constant 22 : i32
    %dma_wait3A_229 = arith.constant 0 : i32
    %dma_wait3A_230 = tpu.memref_slice %arg8[%dma_wait3A_228, %dma_wait3A_229] : memref<26x512xf32, #tpu.memory_space<vmem>> -> memref<1x512xf32, #tpu.memory_space<vmem>>
    %dma_wait3A_231 = tpu.memref_squeeze %dma_wait3A_230 : memref<1x512xf32, #tpu.memory_space<vmem>> -> memref<512xf32, #tpu.memory_space<vmem>>
    %dma_wait3A_232 = arith.constant 0 : i32
    %dma_wait3A_233 = tpu.memref_slice %arg7[%dma_wait3A_227, %dma_wait3A_232] : memref<26x512xi32, #tpu.memory_space<vmem>> -> memref<1x512xi32, #tpu.memory_space<vmem>>
    %dma_wait3A_234 = tpu.memref_squeeze %dma_wait3A_233 : memref<1x512xi32, #tpu.memory_space<vmem>> -> memref<512xi32, #tpu.memory_space<vmem>>
    %dma_wait3A_235 = arith.constant 0 : i32
    %dma_wait3A_236 = tpu.memref_slice %arg2[%dma_wait3A_235] : memref<2662400xf32, #tpu.memory_space<hbm>> -> memref<2662400xf32, #tpu.memory_space<hbm>>
    tpu.wait_indirect_dma semaphore(%arg10 : memref<!tpu.dma_semaphore, #tpu.memory_space<semaphore_mem>>) src(%dma_wait3A_236 : memref<2662400xf32, #tpu.memory_space<hbm>>) dst(%dma_wait3A_231 : memref<512xf32, #tpu.memory_space<vmem>>)
    %dma_wait3A_237 = arith.constant 23 : i32
    %dma_wait3A_238 = arith.constant 23 : i32
    %dma_wait3A_239 = arith.constant 0 : i32
    %dma_wait3A_240 = tpu.memref_slice %arg8[%dma_wait3A_238, %dma_wait3A_239] : memref<26x512xf32, #tpu.memory_space<vmem>> -> memref<1x512xf32, #tpu.memory_space<vmem>>
    %dma_wait3A_241 = tpu.memref_squeeze %dma_wait3A_240 : memref<1x512xf32, #tpu.memory_space<vmem>> -> memref<512xf32, #tpu.memory_space<vmem>>
    %dma_wait3A_242 = arith.constant 0 : i32
    %dma_wait3A_243 = tpu.memref_slice %arg7[%dma_wait3A_237, %dma_wait3A_242] : memref<26x512xi32, #tpu.memory_space<vmem>> -> memref<1x512xi32, #tpu.memory_space<vmem>>
    %dma_wait3A_244 = tpu.memref_squeeze %dma_wait3A_243 : memref<1x512xi32, #tpu.memory_space<vmem>> -> memref<512xi32, #tpu.memory_space<vmem>>
    %dma_wait3A_245 = arith.constant 0 : i32
    %dma_wait3A_246 = tpu.memref_slice %arg2[%dma_wait3A_245] : memref<2662400xf32, #tpu.memory_space<hbm>> -> memref<2662400xf32, #tpu.memory_space<hbm>>
    tpu.wait_indirect_dma semaphore(%arg10 : memref<!tpu.dma_semaphore, #tpu.memory_space<semaphore_mem>>) src(%dma_wait3A_246 : memref<2662400xf32, #tpu.memory_space<hbm>>) dst(%dma_wait3A_241 : memref<512xf32, #tpu.memory_space<vmem>>)
    %dma_wait3A_247 = arith.constant 24 : i32
    %dma_wait3A_248 = arith.constant 24 : i32
    %dma_wait3A_249 = arith.constant 0 : i32
    %dma_wait3A_250 = tpu.memref_slice %arg8[%dma_wait3A_248, %dma_wait3A_249] : memref<26x512xf32, #tpu.memory_space<vmem>> -> memref<1x512xf32, #tpu.memory_space<vmem>>
    %dma_wait3A_251 = tpu.memref_squeeze %dma_wait3A_250 : memref<1x512xf32, #tpu.memory_space<vmem>> -> memref<512xf32, #tpu.memory_space<vmem>>
    %dma_wait3A_252 = arith.constant 0 : i32
    %dma_wait3A_253 = tpu.memref_slice %arg7[%dma_wait3A_247, %dma_wait3A_252] : memref<26x512xi32, #tpu.memory_space<vmem>> -> memref<1x512xi32, #tpu.memory_space<vmem>>
    %dma_wait3A_254 = tpu.memref_squeeze %dma_wait3A_253 : memref<1x512xi32, #tpu.memory_space<vmem>> -> memref<512xi32, #tpu.memory_space<vmem>>
    %dma_wait3A_255 = arith.constant 0 : i32
    %dma_wait3A_256 = tpu.memref_slice %arg2[%dma_wait3A_255] : memref<2662400xf32, #tpu.memory_space<hbm>> -> memref<2662400xf32, #tpu.memory_space<hbm>>
    tpu.wait_indirect_dma semaphore(%arg10 : memref<!tpu.dma_semaphore, #tpu.memory_space<semaphore_mem>>) src(%dma_wait3A_256 : memref<2662400xf32, #tpu.memory_space<hbm>>) dst(%dma_wait3A_251 : memref<512xf32, #tpu.memory_space<vmem>>)
    %dma_wait3A_257 = arith.constant 25 : i32
    %dma_wait3A_258 = arith.constant 25 : i32
    %dma_wait3A_259 = arith.constant 0 : i32
    %dma_wait3A_260 = tpu.memref_slice %arg8[%dma_wait3A_258, %dma_wait3A_259] : memref<26x512xf32, #tpu.memory_space<vmem>> -> memref<1x512xf32, #tpu.memory_space<vmem>>
    %dma_wait3A_261 = tpu.memref_squeeze %dma_wait3A_260 : memref<1x512xf32, #tpu.memory_space<vmem>> -> memref<512xf32, #tpu.memory_space<vmem>>
    %dma_wait3A_262 = arith.constant 0 : i32
    %dma_wait3A_263 = tpu.memref_slice %arg7[%dma_wait3A_257, %dma_wait3A_262] : memref<26x512xi32, #tpu.memory_space<vmem>> -> memref<1x512xi32, #tpu.memory_space<vmem>>
    %dma_wait3A_264 = tpu.memref_squeeze %dma_wait3A_263 : memref<1x512xi32, #tpu.memory_space<vmem>> -> memref<512xi32, #tpu.memory_space<vmem>>
    %dma_wait3A_265 = arith.constant 0 : i32
    %dma_wait3A_266 = tpu.memref_slice %arg2[%dma_wait3A_265] : memref<2662400xf32, #tpu.memory_space<hbm>> -> memref<2662400xf32, #tpu.memory_space<hbm>>
    tpu.wait_indirect_dma semaphore(%arg10 : memref<!tpu.dma_semaphore, #tpu.memory_space<semaphore_mem>>) src(%dma_wait3A_266 : memref<2662400xf32, #tpu.memory_space<hbm>>) dst(%dma_wait3A_261 : memref<512xf32, #tpu.memory_space<vmem>>)
    %scan3A_267 = arith.constant 0 : i32
    %scan3A_268 = arith.constant 0 : i32
    %scan3A_269 = arith.constant 26 : i32
    %scan3A_270 = arith.addi %scan3A_268, %scan3A_269 : i32
    %scan3A_271 = arith.constant 1 : i32
    scf.for %scan3A_273 = %scan3A_268 to %scan3A_270 step %scan3A_271  : i32 {
      %get3A = arith.index_cast %scan3A_273 : i32 to index
      %get3A_274 = arith.constant 0 : index
      %get3A_275 = tpu.vector_load %arg8[%get3A, %get3A_274] {strides = array<i32>} : memref<26x512xf32, #tpu.memory_space<vmem>>, vector<16xf32>,
      %swap3A = arith.constant 0 : index
      %swap3A_276 = tpu.vector_load %arg9[%swap3A] {strides = array<i32>} : memref<512xf32, #tpu.memory_space<vmem>>, vector<16xf32>,
      tpu.vector_store %arg9[%swap3A], %get3A_275 {add = true, strides = array<i32>} : memref<512xf32, #tpu.memory_space<vmem>>, vector<16xf32>,
      %get3A_277 = arith.index_cast %scan3A_273 : i32 to index
      %get3A_278 = arith.constant 16 : index
      %get3A_279 = tpu.vector_load %arg8[%get3A_277, %get3A_278] {strides = array<i32>} : memref<26x512xf32, #tpu.memory_space<vmem>>, vector<16xf32>,
      %swap3A_280 = arith.constant 16 : index
      %swap3A_281 = tpu.vector_load %arg9[%swap3A_280] {strides = array<i32>} : memref<512xf32, #tpu.memory_space<vmem>>, vector<16xf32>,
      tpu.vector_store %arg9[%swap3A_280], %get3A_279 {add = true, strides = array<i32>} : memref<512xf32, #tpu.memory_space<vmem>>, vector<16xf32>,
      %get3A_282 = arith.index_cast %scan3A_273 : i32 to index
      %get3A_283 = arith.constant 32 : index
      %get3A_284 = tpu.vector_load %arg8[%get3A_282, %get3A_283] {strides = array<i32>} : memref<26x512xf32, #tpu.memory_space<vmem>>, vector<16xf32>,
      %swap3A_285 = arith.constant 32 : index
      %swap3A_286 = tpu.vector_load %arg9[%swap3A_285] {strides = array<i32>} : memref<512xf32, #tpu.memory_space<vmem>>, vector<16xf32>,
      tpu.vector_store %arg9[%swap3A_285], %get3A_284 {add = true, strides = array<i32>} : memref<512xf32, #tpu.memory_space<vmem>>, vector<16xf32>,
      %get3A_287 = arith.index_cast %scan3A_273 : i32 to index
      %get3A_288 = arith.constant 48 : index
      %get3A_289 = tpu.vector_load %arg8[%get3A_287, %get3A_288] {strides = array<i32>} : memref<26x512xf32, #tpu.memory_space<vmem>>, vector<16xf32>,
      %swap3A_290 = arith.constant 48 : index
      %swap3A_291 = tpu.vector_load %arg9[%swap3A_290] {strides = array<i32>} : memref<512xf32, #tpu.memory_space<vmem>>, vector<16xf32>,
      tpu.vector_store %arg9[%swap3A_290], %get3A_289 {add = true, strides = array<i32>} : memref<512xf32, #tpu.memory_space<vmem>>, vector<16xf32>,
      %get3A_292 = arith.index_cast %scan3A_273 : i32 to index
      %get3A_293 = arith.constant 64 : index
      %get3A_294 = tpu.vector_load %arg8[%get3A_292, %get3A_293] {strides = array<i32>} : memref<26x512xf32, #tpu.memory_space<vmem>>, vector<16xf32>,
      %swap3A_295 = arith.constant 64 : index
      %swap3A_296 = tpu.vector_load %arg9[%swap3A_295] {strides = array<i32>} : memref<512xf32, #tpu.memory_space<vmem>>, vector<16xf32>,
      tpu.vector_store %arg9[%swap3A_295], %get3A_294 {add = true, strides = array<i32>} : memref<512xf32, #tpu.memory_space<vmem>>, vector<16xf32>,
      %get3A_297 = arith.index_cast %scan3A_273 : i32 to index
      %get3A_298 = arith.constant 80 : index
      %get3A_299 = tpu.vector_load %arg8[%get3A_297, %get3A_298] {strides = array<i32>} : memref<26x512xf32, #tpu.memory_space<vmem>>, vector<16xf32>,
      %swap3A_300 = arith.constant 80 : index
      %swap3A_301 = tpu.vector_load %arg9[%swap3A_300] {strides = array<i32>} : memref<512xf32, #tpu.memory_space<vmem>>, vector<16xf32>,
      tpu.vector_store %arg9[%swap3A_300], %get3A_299 {add = true, strides = array<i32>} : memref<512xf32, #tpu.memory_space<vmem>>, vector<16xf32>,
      %get3A_302 = arith.index_cast %scan3A_273 : i32 to index
      %get3A_303 = arith.constant 96 : index
      %get3A_304 = tpu.vector_load %arg8[%get3A_302, %get3A_303] {strides = array<i32>} : memref<26x512xf32, #tpu.memory_space<vmem>>, vector<16xf32>,
      %swap3A_305 = arith.constant 96 : index
      %swap3A_306 = tpu.vector_load %arg9[%swap3A_305] {strides = array<i32>} : memref<512xf32, #tpu.memory_space<vmem>>, vector<16xf32>,
      tpu.vector_store %arg9[%swap3A_305], %get3A_304 {add = true, strides = array<i32>} : memref<512xf32, #tpu.memory_space<vmem>>, vector<16xf32>,
      %get3A_307 = arith.index_cast %scan3A_273 : i32 to index
      %get3A_308 = arith.constant 112 : index
      %get3A_309 = tpu.vector_load %arg8[%get3A_307, %get3A_308] {strides = array<i32>} : memref<26x512xf32, #tpu.memory_space<vmem>>, vector<16xf32>,
      %swap3A_310 = arith.constant 112 : index
      %swap3A_311 = tpu.vector_load %arg9[%swap3A_310] {strides = array<i32>} : memref<512xf32, #tpu.memory_space<vmem>>, vector<16xf32>,
      tpu.vector_store %arg9[%swap3A_310], %get3A_309 {add = true, strides = array<i32>} : memref<512xf32, #tpu.memory_space<vmem>>, vector<16xf32>,
      %get3A_312 = arith.index_cast %scan3A_273 : i32 to index
      %get3A_313 = arith.constant 128 : index
      %get3A_314 = tpu.vector_load %arg8[%get3A_312, %get3A_313] {strides = array<i32>} : memref<26x512xf32, #tpu.memory_space<vmem>>, vector<16xf32>,
      %swap3A_315 = arith.constant 128 : index
      %swap3A_316 = tpu.vector_load %arg9[%swap3A_315] {strides = array<i32>} : memref<512xf32, #tpu.memory_space<vmem>>, vector<16xf32>,
      tpu.vector_store %arg9[%swap3A_315], %get3A_314 {add = true, strides = array<i32>} : memref<512xf32, #tpu.memory_space<vmem>>, vector<16xf32>,
      %get3A_317 = arith.index_cast %scan3A_273 : i32 to index
      %get3A_318 = arith.constant 144 : index
      %get3A_319 = tpu.vector_load %arg8[%get3A_317, %get3A_318] {strides = array<i32>} : memref<26x512xf32, #tpu.memory_space<vmem>>, vector<16xf32>,
      %swap3A_320 = arith.constant 144 : index
      %swap3A_321 = tpu.vector_load %arg9[%swap3A_320] {strides = array<i32>} : memref<512xf32, #tpu.memory_space<vmem>>, vector<16xf32>,
      tpu.vector_store %arg9[%swap3A_320], %get3A_319 {add = true, strides = array<i32>} : memref<512xf32, #tpu.memory_space<vmem>>, vector<16xf32>,
      %get3A_322 = arith.index_cast %scan3A_273 : i32 to index
      %get3A_323 = arith.constant 160 : index
      %get3A_324 = tpu.vector_load %arg8[%get3A_322, %get3A_323] {strides = array<i32>} : memref<26x512xf32, #tpu.memory_space<vmem>>, vector<16xf32>,
      %swap3A_325 = arith.constant 160 : index
      %swap3A_326 = tpu.vector_load %arg9[%swap3A_325] {strides = array<i32>} : memref<512xf32, #tpu.memory_space<vmem>>, vector<16xf32>,
      tpu.vector_store %arg9[%swap3A_325], %get3A_324 {add = true, strides = array<i32>} : memref<512xf32, #tpu.memory_space<vmem>>, vector<16xf32>,
      %get3A_327 = arith.index_cast %scan3A_273 : i32 to index
      %get3A_328 = arith.constant 176 : index
      %get3A_329 = tpu.vector_load %arg8[%get3A_327, %get3A_328] {strides = array<i32>} : memref<26x512xf32, #tpu.memory_space<vmem>>, vector<16xf32>,
      %swap3A_330 = arith.constant 176 : index
      %swap3A_331 = tpu.vector_load %arg9[%swap3A_330] {strides = array<i32>} : memref<512xf32, #tpu.memory_space<vmem>>, vector<16xf32>,
      tpu.vector_store %arg9[%swap3A_330], %get3A_329 {add = true, strides = array<i32>} : memref<512xf32, #tpu.memory_space<vmem>>, vector<16xf32>,
      %get3A_332 = arith.index_cast %scan3A_273 : i32 to index
      %get3A_333 = arith.constant 192 : index
      %get3A_334 = tpu.vector_load %arg8[%get3A_332, %get3A_333] {strides = array<i32>} : memref<26x512xf32, #tpu.memory_space<vmem>>, vector<16xf32>,
      %swap3A_335 = arith.constant 192 : index
      %swap3A_336 = tpu.vector_load %arg9[%swap3A_335] {strides = array<i32>} : memref<512xf32, #tpu.memory_space<vmem>>, vector<16xf32>,
      tpu.vector_store %arg9[%swap3A_335], %get3A_334 {add = true, strides = array<i32>} : memref<512xf32, #tpu.memory_space<vmem>>, vector<16xf32>,
      %get3A_337 = arith.index_cast %scan3A_273 : i32 to index
      %get3A_338 = arith.constant 208 : index
      %get3A_339 = tpu.vector_load %arg8[%get3A_337, %get3A_338] {strides = array<i32>} : memref<26x512xf32, #tpu.memory_space<vmem>>, vector<16xf32>,
      %swap3A_340 = arith.constant 208 : index
      %swap3A_341 = tpu.vector_load %arg9[%swap3A_340] {strides = array<i32>} : memref<512xf32, #tpu.memory_space<vmem>>, vector<16xf32>,
      tpu.vector_store %arg9[%swap3A_340], %get3A_339 {add = true, strides = array<i32>} : memref<512xf32, #tpu.memory_space<vmem>>, vector<16xf32>,
      %get3A_342 = arith.index_cast %scan3A_273 : i32 to index
      %get3A_343 = arith.constant 224 : index
      %get3A_344 = tpu.vector_load %arg8[%get3A_342, %get3A_343] {strides = array<i32>} : memref<26x512xf32, #tpu.memory_space<vmem>>, vector<16xf32>,
      %swap3A_345 = arith.constant 224 : index
      %swap3A_346 = tpu.vector_load %arg9[%swap3A_345] {strides = array<i32>} : memref<512xf32, #tpu.memory_space<vmem>>, vector<16xf32>,
      tpu.vector_store %arg9[%swap3A_345], %get3A_344 {add = true, strides = array<i32>} : memref<512xf32, #tpu.memory_space<vmem>>, vector<16xf32>,
      %get3A_347 = arith.index_cast %scan3A_273 : i32 to index
      %get3A_348 = arith.constant 240 : index
      %get3A_349 = tpu.vector_load %arg8[%get3A_347, %get3A_348] {strides = array<i32>} : memref<26x512xf32, #tpu.memory_space<vmem>>, vector<16xf32>,
      %swap3A_350 = arith.constant 240 : index
      %swap3A_351 = tpu.vector_load %arg9[%swap3A_350] {strides = array<i32>} : memref<512xf32, #tpu.memory_space<vmem>>, vector<16xf32>,
      tpu.vector_store %arg9[%swap3A_350], %get3A_349 {add = true, strides = array<i32>} : memref<512xf32, #tpu.memory_space<vmem>>, vector<16xf32>,
      %get3A_352 = arith.index_cast %scan3A_273 : i32 to index
      %get3A_353 = arith.constant 256 : index
      %get3A_354 = tpu.vector_load %arg8[%get3A_352, %get3A_353] {strides = array<i32>} : memref<26x512xf32, #tpu.memory_space<vmem>>, vector<16xf32>,
      %swap3A_355 = arith.constant 256 : index
      %swap3A_356 = tpu.vector_load %arg9[%swap3A_355] {strides = array<i32>} : memref<512xf32, #tpu.memory_space<vmem>>, vector<16xf32>,
      tpu.vector_store %arg9[%swap3A_355], %get3A_354 {add = true, strides = array<i32>} : memref<512xf32, #tpu.memory_space<vmem>>, vector<16xf32>,
      %get3A_357 = arith.index_cast %scan3A_273 : i32 to index
      %get3A_358 = arith.constant 272 : index
      %get3A_359 = tpu.vector_load %arg8[%get3A_357, %get3A_358] {strides = array<i32>} : memref<26x512xf32, #tpu.memory_space<vmem>>, vector<16xf32>,
      %swap3A_360 = arith.constant 272 : index
      %swap3A_361 = tpu.vector_load %arg9[%swap3A_360] {strides = array<i32>} : memref<512xf32, #tpu.memory_space<vmem>>, vector<16xf32>,
      tpu.vector_store %arg9[%swap3A_360], %get3A_359 {add = true, strides = array<i32>} : memref<512xf32, #tpu.memory_space<vmem>>, vector<16xf32>,
      %get3A_362 = arith.index_cast %scan3A_273 : i32 to index
      %get3A_363 = arith.constant 288 : index
      %get3A_364 = tpu.vector_load %arg8[%get3A_362, %get3A_363] {strides = array<i32>} : memref<26x512xf32, #tpu.memory_space<vmem>>, vector<16xf32>,
      %swap3A_365 = arith.constant 288 : index
      %swap3A_366 = tpu.vector_load %arg9[%swap3A_365] {strides = array<i32>} : memref<512xf32, #tpu.memory_space<vmem>>, vector<16xf32>,
      tpu.vector_store %arg9[%swap3A_365], %get3A_364 {add = true, strides = array<i32>} : memref<512xf32, #tpu.memory_space<vmem>>, vector<16xf32>,
      %get3A_367 = arith.index_cast %scan3A_273 : i32 to index
      %get3A_368 = arith.constant 304 : index
      %get3A_369 = tpu.vector_load %arg8[%get3A_367, %get3A_368] {strides = array<i32>} : memref<26x512xf32, #tpu.memory_space<vmem>>, vector<16xf32>,
      %swap3A_370 = arith.constant 304 : index
      %swap3A_371 = tpu.vector_load %arg9[%swap3A_370] {strides = array<i32>} : memref<512xf32, #tpu.memory_space<vmem>>, vector<16xf32>,
      tpu.vector_store %arg9[%swap3A_370], %get3A_369 {add = true, strides = array<i32>} : memref<512xf32, #tpu.memory_space<vmem>>, vector<16xf32>,
      %get3A_372 = arith.index_cast %scan3A_273 : i32 to index
      %get3A_373 = arith.constant 320 : index
      %get3A_374 = tpu.vector_load %arg8[%get3A_372, %get3A_373] {strides = array<i32>} : memref<26x512xf32, #tpu.memory_space<vmem>>, vector<16xf32>,
      %swap3A_375 = arith.constant 320 : index
      %swap3A_376 = tpu.vector_load %arg9[%swap3A_375] {strides = array<i32>} : memref<512xf32, #tpu.memory_space<vmem>>, vector<16xf32>,
      tpu.vector_store %arg9[%swap3A_375], %get3A_374 {add = true, strides = array<i32>} : memref<512xf32, #tpu.memory_space<vmem>>, vector<16xf32>,
      %get3A_377 = arith.index_cast %scan3A_273 : i32 to index
      %get3A_378 = arith.constant 336 : index
      %get3A_379 = tpu.vector_load %arg8[%get3A_377, %get3A_378] {strides = array<i32>} : memref<26x512xf32, #tpu.memory_space<vmem>>, vector<16xf32>,
      %swap3A_380 = arith.constant 336 : index
      %swap3A_381 = tpu.vector_load %arg9[%swap3A_380] {strides = array<i32>} : memref<512xf32, #tpu.memory_space<vmem>>, vector<16xf32>,
      tpu.vector_store %arg9[%swap3A_380], %get3A_379 {add = true, strides = array<i32>} : memref<512xf32, #tpu.memory_space<vmem>>, vector<16xf32>,
      %get3A_382 = arith.index_cast %scan3A_273 : i32 to index
      %get3A_383 = arith.constant 352 : index
      %get3A_384 = tpu.vector_load %arg8[%get3A_382, %get3A_383] {strides = array<i32>} : memref<26x512xf32, #tpu.memory_space<vmem>>, vector<16xf32>,
      %swap3A_385 = arith.constant 352 : index
      %swap3A_386 = tpu.vector_load %arg9[%swap3A_385] {strides = array<i32>} : memref<512xf32, #tpu.memory_space<vmem>>, vector<16xf32>,
      tpu.vector_store %arg9[%swap3A_385], %get3A_384 {add = true, strides = array<i32>} : memref<512xf32, #tpu.memory_space<vmem>>, vector<16xf32>,
      %get3A_387 = arith.index_cast %scan3A_273 : i32 to index
      %get3A_388 = arith.constant 368 : index
      %get3A_389 = tpu.vector_load %arg8[%get3A_387, %get3A_388] {strides = array<i32>} : memref<26x512xf32, #tpu.memory_space<vmem>>, vector<16xf32>,
      %swap3A_390 = arith.constant 368 : index
      %swap3A_391 = tpu.vector_load %arg9[%swap3A_390] {strides = array<i32>} : memref<512xf32, #tpu.memory_space<vmem>>, vector<16xf32>,
      tpu.vector_store %arg9[%swap3A_390], %get3A_389 {add = true, strides = array<i32>} : memref<512xf32, #tpu.memory_space<vmem>>, vector<16xf32>,
      %get3A_392 = arith.index_cast %scan3A_273 : i32 to index
      %get3A_393 = arith.constant 384 : index
      %get3A_394 = tpu.vector_load %arg8[%get3A_392, %get3A_393] {strides = array<i32>} : memref<26x512xf32, #tpu.memory_space<vmem>>, vector<16xf32>,
      %swap3A_395 = arith.constant 384 : index
      %swap3A_396 = tpu.vector_load %arg9[%swap3A_395] {strides = array<i32>} : memref<512xf32, #tpu.memory_space<vmem>>, vector<16xf32>,
      tpu.vector_store %arg9[%swap3A_395], %get3A_394 {add = true, strides = array<i32>} : memref<512xf32, #tpu.memory_space<vmem>>, vector<16xf32>,
      %get3A_397 = arith.index_cast %scan3A_273 : i32 to index
      %get3A_398 = arith.constant 400 : index
      %get3A_399 = tpu.vector_load %arg8[%get3A_397, %get3A_398] {strides = array<i32>} : memref<26x512xf32, #tpu.memory_space<vmem>>, vector<16xf32>,
      %swap3A_400 = arith.constant 400 : index
      %swap3A_401 = tpu.vector_load %arg9[%swap3A_400] {strides = array<i32>} : memref<512xf32, #tpu.memory_space<vmem>>, vector<16xf32>,
      tpu.vector_store %arg9[%swap3A_400], %get3A_399 {add = true, strides = array<i32>} : memref<512xf32, #tpu.memory_space<vmem>>, vector<16xf32>,
      %get3A_402 = arith.index_cast %scan3A_273 : i32 to index
      %get3A_403 = arith.constant 416 : index
      %get3A_404 = tpu.vector_load %arg8[%get3A_402, %get3A_403] {strides = array<i32>} : memref<26x512xf32, #tpu.memory_space<vmem>>, vector<16xf32>,
      %swap3A_405 = arith.constant 416 : index
      %swap3A_406 = tpu.vector_load %arg9[%swap3A_405] {strides = array<i32>} : memref<512xf32, #tpu.memory_space<vmem>>, vector<16xf32>,
      tpu.vector_store %arg9[%swap3A_405], %get3A_404 {add = true, strides = array<i32>} : memref<512xf32, #tpu.memory_space<vmem>>, vector<16xf32>,
      %get3A_407 = arith.index_cast %scan3A_273 : i32 to index
      %get3A_408 = arith.constant 432 : index
      %get3A_409 = tpu.vector_load %arg8[%get3A_407, %get3A_408] {strides = array<i32>} : memref<26x512xf32, #tpu.memory_space<vmem>>, vector<16xf32>,
      %swap3A_410 = arith.constant 432 : index
      %swap3A_411 = tpu.vector_load %arg9[%swap3A_410] {strides = array<i32>} : memref<512xf32, #tpu.memory_space<vmem>>, vector<16xf32>,
      tpu.vector_store %arg9[%swap3A_410], %get3A_409 {add = true, strides = array<i32>} : memref<512xf32, #tpu.memory_space<vmem>>, vector<16xf32>,
      %get3A_412 = arith.index_cast %scan3A_273 : i32 to index
      %get3A_413 = arith.constant 448 : index
      %get3A_414 = tpu.vector_load %arg8[%get3A_412, %get3A_413] {strides = array<i32>} : memref<26x512xf32, #tpu.memory_space<vmem>>, vector<16xf32>,
      %swap3A_415 = arith.constant 448 : index
      %swap3A_416 = tpu.vector_load %arg9[%swap3A_415] {strides = array<i32>} : memref<512xf32, #tpu.memory_space<vmem>>, vector<16xf32>,
      tpu.vector_store %arg9[%swap3A_415], %get3A_414 {add = true, strides = array<i32>} : memref<512xf32, #tpu.memory_space<vmem>>, vector<16xf32>,
      %get3A_417 = arith.index_cast %scan3A_273 : i32 to index
      %get3A_418 = arith.constant 464 : index
      %get3A_419 = tpu.vector_load %arg8[%get3A_417, %get3A_418] {strides = array<i32>} : memref<26x512xf32, #tpu.memory_space<vmem>>, vector<16xf32>,
      %swap3A_420 = arith.constant 464 : index
      %swap3A_421 = tpu.vector_load %arg9[%swap3A_420] {strides = array<i32>} : memref<512xf32, #tpu.memory_space<vmem>>, vector<16xf32>,
      tpu.vector_store %arg9[%swap3A_420], %get3A_419 {add = true, strides = array<i32>} : memref<512xf32, #tpu.memory_space<vmem>>, vector<16xf32>,
      %get3A_422 = arith.index_cast %scan3A_273 : i32 to index
      %get3A_423 = arith.constant 480 : index
      %get3A_424 = tpu.vector_load %arg8[%get3A_422, %get3A_423] {strides = array<i32>} : memref<26x512xf32, #tpu.memory_space<vmem>>, vector<16xf32>,
      %swap3A_425 = arith.constant 480 : index
      %swap3A_426 = tpu.vector_load %arg9[%swap3A_425] {strides = array<i32>} : memref<512xf32, #tpu.memory_space<vmem>>, vector<16xf32>,
      tpu.vector_store %arg9[%swap3A_425], %get3A_424 {add = true, strides = array<i32>} : memref<512xf32, #tpu.memory_space<vmem>>, vector<16xf32>,
      %get3A_427 = arith.index_cast %scan3A_273 : i32 to index
      %get3A_428 = arith.constant 496 : index
      %get3A_429 = tpu.vector_load %arg8[%get3A_427, %get3A_428] {strides = array<i32>} : memref<26x512xf32, #tpu.memory_space<vmem>>, vector<16xf32>,
      %swap3A_430 = arith.constant 496 : index
      %swap3A_431 = tpu.vector_load %arg9[%swap3A_430] {strides = array<i32>} : memref<512xf32, #tpu.memory_space<vmem>>, vector<16xf32>,
      tpu.vector_store %arg9[%swap3A_430], %get3A_429 {add = true, strides = array<i32>} : memref<512xf32, #tpu.memory_space<vmem>>, vector<16xf32>,
    }
    %scan3A_272 = arith.constant 26 : i32
    "tpu.region"() ({
      %run_scoped3A = tpu.sem_alloc : memref<!tpu.dma_semaphore, #tpu.memory_space<semaphore_mem>>
      %dma_start3A = tpu.memref_slice %arg5[%multiple_of3A] : memref<16384xf32, #tpu.memory_space<hbm>> -> memref<512xf32, #tpu.memory_space<hbm>>
      %dma_start3A_273 = tpu.memref_slice %arg5[%multiple_of3A] : memref<16384xf32, #tpu.memory_space<hbm>> -> memref<512xf32, #tpu.memory_space<hbm>>
      tpu.enqueue_dma source(%arg9 : memref<512xf32, #tpu.memory_space<vmem>>) target(%dma_start3A_273 : memref<512xf32, #tpu.memory_space<hbm>>) target_semaphore(%run_scoped3A : memref<!tpu.dma_semaphore, #tpu.memory_space<semaphore_mem>>)
      %dma_wait3A_274 = tpu.memref_slice %arg5[%multiple_of3A] : memref<16384xf32, #tpu.memory_space<hbm>> -> memref<512xf32, #tpu.memory_space<hbm>>
      %dma_wait3A_275 = tpu.memref_slice %arg5[%multiple_of3A] : memref<16384xf32, #tpu.memory_space<hbm>> -> memref<512xf32, #tpu.memory_space<hbm>>
      tpu.wait_dma2 semaphore(%run_scoped3A : memref<!tpu.dma_semaphore, #tpu.memory_space<semaphore_mem>>) src(%arg9 : memref<512xf32, #tpu.memory_space<vmem>>) dst(%dma_wait3A_275 : memref<512xf32, #tpu.memory_space<hbm>>)
      tpu.yield
    }) : () -> ()
    return
  }
}

module attributes {stable_mosaic.version = 14 : i64} {
  func.func @_tc_body(%arg0: i32, %arg1: i32, %arg2: memref<1x50x51200xf32, #tpu.memory_space<vmem>>, %arg3: memref<26x50xf32, #tpu.memory_space<vmem>>, %arg4: memref<16384x13xf32, #tpu.memory_space<vmem>>, %arg5: memref<13x1xf32, #tpu.memory_space<vmem>>, %arg6: memref<1xf32, #tpu.memory_space<smem>>, %arg7: memref<51200xf32, #tpu.memory_space<vmem>>, %arg8: memref<16384xf32, #tpu.memory_space<vmem>>) attributes {dimension_semantics = [#tpu.dimension_semantics<arbitrary>, #tpu.dimension_semantics<arbitrary>], iteration_bounds = array<i64: 26, 2>, scalar_prefetch = 0 : i64, scratch_operands = 0 : i64, tpu.core_type = #tpu.core_type<tc>, window_params = [{transform_indices = @transform_0, window_bounds = array<i64: 1, 50, 51200>}, {pipeline_mode = #tpu.pipeline_mode<synchronous>, transform_indices = @transform_1, window_bounds = array<i64: 26, 50>}, {pipeline_mode = #tpu.pipeline_mode<synchronous>, transform_indices = @transform_2, window_bounds = array<i64: 16384, 13>}, {pipeline_mode = #tpu.pipeline_mode<synchronous>, transform_indices = @transform_3, window_bounds = array<i64: 13, 1>}, {transform_indices = @transform_4, window_bounds = array<i64: 1>}, {transform_indices = @transform_5, window_bounds = array<i64: 51200>}, {pipeline_mode = #tpu.pipeline_mode<synchronous>, transform_indices = @transform_6, window_bounds = array<i64: 16384>}]} {
    %get3A = arith.index_cast %arg0 : i32 to index
    %get3A_0 = arith.constant 0 : index
    %get3A_1 = vector.load %arg3[%get3A, %get3A_0] : memref<26x50xf32, #tpu.memory_space<vmem>>, vector<1x50xf32>
    %get3A_2 = arith.constant 0 : index
    %get3A_3 = arith.constant 0 : index
    %get3A_4 = arith.constant 0 : index
    %get3A_5 = vector.load %arg2[%get3A_2, %get3A_3, %get3A_4] : memref<1x50x51200xf32, #tpu.memory_space<vmem>>, vector<1x50x51200xf32>
    %get3A_6 = vector.shape_cast %get3A_5 : vector<1x50x51200xf32> to vector<50x51200xf32>
    %dot_general3A = arith.constant dense<0.000000e+00> : vector<1x51200xf32>
    %dot_general3A_7 = tpu.matmul %get3A_1, %get3A_6, %dot_general3A {dimension_numbers = #tpu.dot_dimension_numbers<[1], [0], [0], [1], [0, 0, 1, 1], [], []>, transpose_lhs_hint = false} : vector<1x50xf32>, vector<50x51200xf32>, vector<1x51200xf32> -> vector<1x51200xf32>
    %squeeze3A = vector.shape_cast %dot_general3A_7 : vector<1x51200xf32> to vector<51200xf32>
    %swap3A = arith.constant 0 : index
    %swap3A_8 = vector.load %arg7[%swap3A] : memref<51200xf32, #tpu.memory_space<vmem>>, vector<51200xf32>
    tpu.vector_store %arg7[%swap3A], %squeeze3A {strides = array<i32>} : memref<51200xf32, #tpu.memory_space<vmem>>, vector<51200xf32>,
    %eq3A = arith.constant 0 : i32
    %eq3A_9 = arith.cmpi eq, %arg0, %eq3A : i32
    %eq3A_10 = arith.constant 0 : i32
    %eq3A_11 = arith.cmpi eq, %arg1, %eq3A_10 : i32
    %and3A = arith.andi %eq3A_9, %eq3A_11 : i1
    %convert_element_type3A = arith.extui %and3A : i1 to i32
    %cond3A = arith.constant 0 : i32
    %cond3A_12 = arith.cmpi ne, %convert_element_type3A, %cond3A : i32
    scf.if %cond3A_12 {
      %get3A_13 = arith.constant 0 : index
      %get3A_14 = arith.constant 0 : index
      %get3A_15 = vector.load %arg4[%get3A_13, %get3A_14] : memref<16384x13xf32, #tpu.memory_space<vmem>>, vector<16384x13xf32>
      %get3A_16 = arith.constant 0 : index
      %get3A_17 = arith.constant 0 : index
      %get3A_18 = vector.load %arg5[%get3A_16, %get3A_17] : memref<13x1xf32, #tpu.memory_space<vmem>>, vector<13x1xf32>
      %dot_general3A_19 = arith.constant dense<0.000000e+00> : vector<16384x1xf32>
      %dot_general3A_20 = tpu.matmul %get3A_15, %get3A_18, %dot_general3A_19 {dimension_numbers = #tpu.dot_dimension_numbers<[1], [0], [0], [1], [0, 0, 1, 1], [], []>, transpose_lhs_hint = false} : vector<16384x13xf32>, vector<13x1xf32>, vector<16384x1xf32> -> vector<16384x1xf32>
      %squeeze3A_21 = vector.shape_cast %dot_general3A_20 : vector<16384x1xf32> to vector<16384xf32>
      %get3A_22 = arith.constant 0 : index
      %get3A_23 = memref.load %arg6[%get3A_22] : memref<1xf32, #tpu.memory_space<smem>>
      %add3A = vector.broadcast %get3A_23 : f32 to vector<16384xf32>
      %add3A_24 = arith.addf %squeeze3A_21, %add3A : vector<16384xf32>
      %swap3A_25 = arith.constant 0 : index
      %swap3A_26 = vector.load %arg8[%swap3A_25] : memref<16384xf32, #tpu.memory_space<vmem>>, vector<16384xf32>
      tpu.vector_store %arg8[%swap3A_25], %add3A_24 {strides = array<i32>} : memref<16384xf32, #tpu.memory_space<vmem>>, vector<16384xf32>,
    } else {
    }
    return
  }
  func.func @transform_0(%arg0: i32, %arg1: i32) -> (i32, i32, i32) {
    %c0_i32 = arith.constant 0 : i32
    %c0_i32_0 = arith.constant 0 : i32
    return %arg0, %c0_i32, %arg1 : i32, i32, i32
  }
  func.func @transform_1(%arg0: i32, %arg1: i32) -> (i32, i32) {
    %c0_i32 = arith.constant 0 : i32
    %c0_i32_0 = arith.constant 0 : i32
    %c0_i32_1 = arith.constant 0 : i32
    return %c0_i32, %c0_i32_0 : i32, i32
  }
  func.func @transform_2(%arg0: i32, %arg1: i32) -> (i32, i32) {
    %c0_i32 = arith.constant 0 : i32
    %c0_i32_0 = arith.constant 0 : i32
    %c0_i32_1 = arith.constant 0 : i32
    return %c0_i32, %c0_i32_0 : i32, i32
  }
  func.func @transform_3(%arg0: i32, %arg1: i32) -> (i32, i32) {
    %c0_i32 = arith.constant 0 : i32
    %c0_i32_0 = arith.constant 0 : i32
    %c0_i32_1 = arith.constant 0 : i32
    return %c0_i32, %c0_i32_0 : i32, i32
  }
  func.func @transform_4(%arg0: i32, %arg1: i32) -> i32 {
    %c0_i32 = arith.constant 0 : i32
    %c0_i32_0 = arith.constant 0 : i32
    return %c0_i32 : i32
  }
  func.func @transform_5(%arg0: i32, %arg1: i32) -> i32 {
    %mul3A = arith.constant 2 : i32
    %mul3A_0 = arith.muli %arg0, %mul3A : i32
    %add3A = arith.addi %mul3A_0, %arg1 : i32
    %c0_i32 = arith.constant 0 : i32
    return %add3A : i32
  }
  func.func @transform_6(%arg0: i32, %arg1: i32) -> i32 {
    %c0_i32 = arith.constant 0 : i32
    %c0_i32_0 = arith.constant 0 : i32
    return %c0_i32 : i32
  }
}

</mosaic_0001>

<sc_bundles>
// kernel: _run.4.cloned.1.call-start
scs
__scs_entry_jumppad:
0x0: {  	(pc) =	sbr.rel $0x88, $3  }
0x1: {  	(tag) =	ssettag $0x0;
	lr =	simm.s32 $0x1  }
0x2: {  	[smem:$0x3F9B] =	sst lr;
	_ =	strace $0xD0000000  }
0x3: {  	_ = 	snop  }
0x4: {  	_ = 	snop  }
0x5: {  	_ = 	snop  }
0x6: {  	_ = 	snop  }
0x7: {  	_ = 	snop  }
__scs_overlays_trampoline_lowered:
0x8: {  	[smem:$0x3FAA] =	sst s0  }
0x9: {  	[smem:$0x3FAB] =	sst s1  }
0xa: {  	[smem:$0x3FAC] =	sst s2  }
0xb: {  	[smem:$0x3FAD] =	sst s3  }
0xc: {  	[smem:$0x3FAE] =	sst s4  }
0xd: {  	[smem:$0x3FAF] =	sst s5  }
0xe: {  	[smem:$0x3FB0] =	sst s6  }
0xf: {  	[smem:$0x3FB1] =	sst s7  }
0x10: {  	[smem:$0x3FB2] =	sst s8  }
0x11: {  	[smem:$0x3FB3] =	sst s9;
	s0 =	simm.s32 @!p0 $0x0  }
0x12: {  	s1 =	sld [smem:$0x3F99];
	s0 =	simm.s32 @p0 $0x1  }
0x13: {  	[smem:$0x3FB4] =	sst s0;
	s0 =	simm.s32 @!p1 $0x0  }
0x14: {  	s2 =	sld [smem:$0x3F98];
	s0 =	simm.s32 @p1 $0x1  }
0x15: {  	[smem:$0x3FB5] =	sst s0;
	s0 =	simm.s32 @!p2 $0x0  }
0x16: {  	s3 =	sld [smem:$0x3FDB];
	s0 =	simm.s32 @p2 $0x1  }
0x17: {  	s4 =	simm.s32 $0x1BF5;
	[smem:$0x3FB7] =	sst s0  }
0x18: {  	s0 =	sld [smem:$0x3F9A];
	_ =	swait.ge [sflag:s4], $0x0  }
0x19: {  	s7 =	sld [smem:$0x3F9B]  }
0x1a: {  	s8 =	sadd.s32 $0xFFFFE003, lr  }
0x1b: {  	s9 =	sadd.s32 $0xFFFFFEF7, lr;
	s5 =	simm.s32 $0xFFFFFFFF;
	p2 =	slt.u32 s8, $0xFFFFF086  }
0x1c: {  	p1 =	slt.u32 s9, $0xF7A;
	s5 =	simm.s32 @!p2 $0x0  }
0x1d: {  	s5 =	simm.s32 @p1 $0x1;
	p0 =	seq.s32 s7, s2  }
0x1e: {  	s7 =	smul.u32 @!p0 $0xF7A, s2;
	p2 =	seq.s32 @!p0 s5, $0x0  }
0x1f: {  	s9 =	smul.u32 $0xF7A, s1;
	s8 =	simm.s32 @!p0 $0x1BF5;
	p2 =	por !p2, p0  }
0x20: {  	[sflag:s8] =	ssyncset.s32 @!p0 $0xFFFFF086;
	s6 =	sadd.s32 @!p0 s3, s7;
	s7 =	simm.s32 @!p0 $0x108  }
0x21: {  	s3 =	sadd.s32 s3, s9;
	s6 =	sadd.s32 @!p0 $0x88, s6;
	s7 =	simm.s32 @p2 $0x1082  }
0x22: {  	[simem:s7], [sflag:s8] =	dma.local @!p0 [hbm:s6], $0xF7A  }
0x23: {  	s9 =	sor.u32 $0xD0000000, s2;
	s6 =	simm.s32 $0x108;
	_ =	swait.ge @!p0 [sflag:s8], $0x0  }
0x24: {  	s3 =	sadd.s32 $0x88, s3;
	s6 =	simm.s32 @!p1 $0x1082;
	[sflag:s4] =	ssyncset.s32 $0xFFFFF086  }
0x25: {  	[simem:s6], [sflag:s4] =	dma.local [hbm:s3], $0xF7A  }
0x26: {  	[smem:$0x3F9B] =	sst s1;
	(tag) =	ssettag s2;
	_ =	strace s9  }
0x27: {  	s1 =	sld [smem:$0x3FAB]  }
0x28: {  	s2 =	sld [smem:$0x3FAC]  }
0x29: {  	s4 =	sld [smem:$0x3FAE]  }
0x2a: {  	p0 =	seq.s32 s5, $0x0;
	s5 =	sld [smem:$0x3FAF]  }
0x2b: {  	s6 =	sld [smem:$0x3FB0]  }
0x2c: {  	s7 =	sld [smem:$0x3FB1]  }
0x2d: {  	s3 =	simm.s32 $0x108;
	s8 =	sld [smem:$0x3FB2]  }
0x2e: {  	s3 =	simm.s32 @!p0 $0x1082;
	s9 =	sld [smem:$0x3FB3]  }
0x2f: {  	lr =	sadd.s32 s0, s3;
	s0 =	sld [smem:$0x3FAA]  }
0x30: {  	s3 =	sld [smem:$0x3FAD]  }
0x31: {  	[smem:$0x3FB6] =	sst s10  }
0x32: {  	s10 =	sld [smem:$0x3FB4];
	_ =	sdelay $0x3  }
0x33: {  	p0 =	seq.s32 s10, $0x1;
	s10 =	sld [smem:$0x3FB6];
	_ =	sdelay $0x3  }
0x34: {  	[smem:$0x3FB6] =	sst s10  }
0x35: {  	s10 =	sld [smem:$0x3FB5];
	_ =	sdelay $0x3  }
0x36: {  	p1 =	seq.s32 s10, $0x1;
	s10 =	sld [smem:$0x3FB6];
	_ =	sdelay $0x3  }
0x37: {  	[smem:$0x3FB6] =	sst s10  }
0x38: {  	s10 =	sld [smem:$0x3FB7]  }
0x39: {  	_ = 	snop;
	(pc) =	sbr.ind lr, $3  }
0x3a: {  	_ = 	snop  }
0x3b: {  	_ = 	snop  }
0x3c: {  	p2 =	seq.s32 s10, $0x1;
	s10 =	sld [smem:$0x3FB6]  }
0x3d: {  	_ =	shalt  }
0x3e: {  	_ =	shalt  }
0x3f: {  	_ =	shalt  }
0x40: {  	_ =	shalt  }
0x41: {  	_ =	shalt  }
0x42: {  	_ =	shalt  }
0x43: {  	_ =	shalt  }
0x44: {  	_ =	shalt  }
0x45: {  	_ =	shalt  }
0x46: {  	_ =	shalt  }
0x47: {  	_ =	shalt  }
0x48: {  	_ =	shalt  }
0x49: {  	_ =	shalt  }
0x4a: {  	_ =	shalt  }
0x4b: {  	_ =	shalt  }
0x4c: {  	_ =	shalt  }
0x4d: {  	_ =	shalt  }
0x4e: {  	_ =	shalt  }
0x4f: {  	_ =	shalt  }
0x50: {  	_ =	shalt  }
0x51: {  	_ =	shalt  }
0x52: {  	_ =	shalt  }
0x53: {  	_ =	shalt  }
0x54: {  	_ =	shalt  }
0x55: {  	_ =	shalt  }
0x56: {  	_ =	shalt  }
0x57: {  	_ =	shalt  }
0x58: {  	_ =	shalt  }
0x59: {  	_ =	shalt  }
0x5a: {  	_ =	shalt  }
0x5b: {  	_ =	shalt  }
0x5c: {  	_ =	shalt  }
0x5d: {  	_ =	shalt  }
0x5e: {  	_ =	shalt  }
0x5f: {  	_ =	shalt  }
0x60: {  	_ =	shalt  }
0x61: {  	_ =	shalt  }
0x62: {  	_ =	shalt  }
0x63: {  	_ =	shalt  }
0x64: {  	_ =	shalt  }
0x65: {  	_ =	shalt  }
0x66: {  	_ =	shalt  }
0x67: {  	_ =	shalt  }
0x68: {  	_ =	shalt  }
0x69: {  	_ =	shalt  }
0x6a: {  	_ =	shalt  }
0x6b: {  	_ =	shalt  }
0x6c: {  	_ =	shalt  }
0x6d: {  	_ =	shalt  }
0x6e: {  	_ =	shalt  }
0x6f: {  	_ =	shalt  }
0x70: {  	_ =	shalt  }
0x71: {  	_ =	shalt  }
0x72: {  	_ =	shalt  }
0x73: {  	_ =	shalt  }
0x74: {  	_ =	shalt  }
0x75: {  	_ =	shalt  }
0x76: {  	_ =	shalt  }
0x77: {  	_ =	shalt  }
0x78: {  	_ =	shalt  }
0x79: {  	_ =	shalt  }
0x7a: {  	_ =	shalt  }
0x7b: {  	_ =	shalt  }
0x7c: {  	_ =	shalt  }
0x7d: {  	_ =	shalt  }
0x7e: {  	_ =	shalt  }
0x7f: {  	_ =	shalt  }
0x80: {  	_ =	shalt  }
0x81: {  	_ =	shalt  }
0x82: {  	_ =	shalt  }
0x83: {  	_ =	shalt  }
0x84: {  	_ =	shalt  }
0x85: {  	_ =	shalt  }
0x86: {  	_ =	shalt  }
0x87: {  	_ =	shalt  }
.Lfunc_end0:
.L_simem_size_0:
called_computation_lowered:
.L_overlay_start_0:
0x88: {  	s2 =	sld [smem:$0x3FD9]  }
0x89: {  	s3 =	sld [smem:$0x3FFE];
	_ =	sdelay $0x1  }
0x8a: {  	s1 =	srdreg.scid  }
0x8b: {  	s0 =	sand.u32 $0x1, s1  }
0x8c: {  	s17 =	sshll.u32 s0, $0xA;
	s2 =	sadd.s32 s3, s2  }
0x8d: {  	s2 =	sadd.s32 s2, s17  }
0x8e: {  	[smem:$0x3FC2] =	sst s2  }
0x8f: {  	_ = 	snop  }
0x90: {  	s2 =	sld [smem:$0x3FD0];
	(tm) =	ssettm $0x1  }
0x91: {  	s18 =	sld [smem:$0x3FFB];
	_ =	sdelay $0x3  }
0x92: {  	_ =	strace s18  }
0x93: {  	s3 =	sld [smem:$0x3FFC];
	_ =	sdelay $0x3  }
0x94: {  	_ =	strace s3  }
0x95: {  	s3 =	sld [smem:$0x3FFD];
	_ =	sdelay $0x3  }
0x96: {  	_ =	strace s3  }
0x97: {  	_ =	strace $0x8FFFFFFF  }
0x98: {  	s19 =	sld [smem:$0x3FDB];
	_ =	sdelay $0x1  }
0x99: {  	s4 =	simm.s32 $_scs_section_size  }
0x9a: {  	s5 =	simm.s32 $_size__tile_overlayer_lowered;
	s6 =	simm.s32 $_tile_overlayer_lowered  }
0x9b: {  	s22 =	simm.s32 $0x1BFF;
	s21 =	sshll.u32 s6, $0x1;
	s3 =	sadd.s32 s4, s19  }
0x9c: {  	s7 =	simm.s32 $0x0;
	s20 =	sshll.u32 s5, $0x1;
	s5 =	sadd.s32 s21, s3  }
0x9d: {  	[timem:s7], [sflag:s22] =	dma.local [hbm:s5], s20  }
0x9e: {  	_ =	swait.ge [sflag:s22], s20  }
0x9f: {  	s4 =	ssub.s32 $0x0, s20;
	[sflag:s22] =	ssyncset.done $0x0  }
0xa0: {  	[sflag:s22] =	ssyncadd.s32 s4;
	_ =	sdelay $0x1  }
0xa1: {  	s23 =	simm.s32 $0x1B8B  }
0xa2: {  	_ =	swait.ge [sflag:s23], $0x1  }
0xa3: {  	[sflag:s23] =	ssyncset.done $0x0  }
0xa4: {  	s25 =	simm.s32 $0x1B8E;
	s24 =	sld [smem:$0x3FFE];
	[sflag:s23] =	ssyncadd.s32 $0xFFFFFFFF  }
0xa5: {  	s26 =	simm.s32 $execute0_lowered;
	[smem:$0x3FD2] =	sst s25  }
0xa6: {  	s5 =	sshll.u32 s26, $0x1;
	_ =	strace $0x80000046;
	[dreg:$0x1] =	wrdreg $0xFFFFFFFF  }
0xa7: {  	s28 =	simm.s32 $_size_execute0_lowered;
	s3 =	sadd.s32 s3, s5;
	[dreg:$0x0] =	wrdreg $0x0  }
0xa8: {  	s5 =	sshll.u32 s28, $0x1;
	[dreg:$0x2] =	wrdreg s3  }
0xa9: {  	[dreg:$0x3] =	wrdreg s5  }
0xaa: {  	[dreg:$0x4] =	wrdreg $0xC0  }
0xab: {  	_ =	task [dreg:s7], $0x5FFFF  }
0xac: {  	[dreg:$0x1] =	wrdreg $0xFFFFFFFF  }
0xad: {  	[dreg:$0x0] =	wrdreg $0x60  }
0xae: {  	[dreg:$0x2] =	wrdreg s24  }
0xaf: {  	[dreg:$0x3] =	wrdreg s2  }
0xb0: {  	[dreg:$0x4] =	wrdreg $0x9  }
0xb1: {  	_ =	task.clear_ibuf [dreg:s7], $0x5FFFF;
	_ =	strace $0x90000046  }
0xb2: {  	s29 =	simm.s32 $0x9;
	_ =	strace $0x80000048  }
0xb3: {  	_ =	swait.ge [sflag:s29], $0x1  }
0xb4: {  	[sflag:s29] =	ssyncadd.s32 $0xFFFFFFFF  }
0xb5: {  	_ =	strace $0x90000048  }
0xb6: {  	_ =	sfence  }
0xb7: {  	s30 =	sld [smem:$0x0];
	_ =	sdelay $0x2  }
0xb8: {  	s31 =	sshll.u32 s1, $0xD;
	s1 =	sshrl.u32 s1, $0x2  }
0xb9: {  	s3 =	sand.u32 $0x4000, s31;
	s1 =	sadd.s32 s1, s30  }
0xba: {  	s0 =	sor.u32 s3, s0;
	s1 =	sshll.u32 s1, $0x11  }
0xbb: {  	s0 =	sor.u32 s1, s0  }
0xbc: {  	s0 =	sadd.s32 $0x8F2B, s0  }
0xbd: {  	[sflag:s0] =	ssyncadd.remote.s32 $0x1  }
0xbe: {  	_ =	sfence.sel $0xFFFF  }
0xbf: {  	[dreg:$0x0] =	wrdreg $0xFFFFFFFF;
	(pc) =	sbr.abs _section_cstart, $3  }
0xc0: {  	[dreg:$0x1] =	wrdreg $0xFFFFFFFF  }
0xc1: {  	_ =	task.clear_ibuf [dreg:s7], $0x2FFFF;
	_ =	strace $0x9FFFFFFF  }
0xc2: {  	(tm) =	ssettm $0x7FFFFFFF  }
0xc3: {  	_ =	shalt  }
tec
execute0_lowered:
.L_overlay_start_1:
0x0: {  	(tag) =	ssettag $0x1  }
0x1: {  	s0 =	rddreg [dreg:$0x0]  }
0x2: {  	s1 =	rddreg [dreg:$0x1]  }
0x3: {  	s2 =	simm.s32 $0x0;
	s3 =	srdreg.scid;
	s5 =	stileid.u32  }
0x4: {  	s23 =	simm.s32 $0xA810;
	s10 =	simm.s32 $0x2;
	s24 =	simm.s32 $0xA820  }
0x5: {  	s12 =	simm.s32 $0x200;
	s25 =	simm.s32 $0xA830;
	s26 =	simm.s32 $0xA840  }
0x6: {  	s14 =	simm.s32 $0xA850;
	s15 =	simm.s32 $0xA860;
	s16 =	simm.s32 $0xA870  }
0x7: {  	s17 =	simm.s32 $0xA880;
	s18 =	simm.s32 $0xA890;
	s19 =	simm.s32 $0xA8A0  }
0x8: {  	s20 =	simm.s32 $0xA8B0;
	s28 =	simm.s32 $0xA920;
	s29 =	simm.s32 $0xA930  }
0x9: {  	v0 =	vlaneseq.u32;
	s30 =	simm.s32 $0xA940;
	s31 =	simm.s32 $0xA950;
	[smem:$0x7FF] =	sst s2  }
0xa: {  	s8 =	simm.s32 $0xA9C0;
	v0 =	vmul.u32 $0x20, v0;
	_ =	strace $0x80000047;
	[dreg:$0x3] =	wrdreg s23  }
0xb: {  	s11 =	simm.s32 $0xA9D0;
	s4 =	sand.u32 $0x1, s3;
	[dreg:$0x4] =	wrdreg s24  }
0xc: {  	s5 =	sshll.u32 s5, $0x1;
	s3 =	sadd.s32 $0x11000, s0;
	[dreg:$0x5] =	wrdreg s25;
	v1 =	vor.u32 $0x200, v0  }
0xd: {  	s5 =	sor.u32 s4, s5;
	s4 =	ssub.s32 $0x2, s4;
	[dreg:$0x6] =	wrdreg s26;
	v2 =	vor.u32 $0x400, v0;
	v3 =	vor.u32 $0x600, v0;
	v4 =	vor.u32 $0x800, v0  }
0xe: {  	[dreg:$0xb] =	wrdreg s3;
	s23 =	simm.s32 $0xA8E0;
	s24 =	simm.s32 $0xA8F0;
	v5 =	vor.u32 $0xA00, v0;
	v6 =	vor.u32 $0xC00, v0;
	v7 =	vor.u32 $0xE00, v0  }
0xf: {  	s25 =	simm.s32 $0xA900;
	s26 =	simm.s32 $0xA910;
	s6 =	sshll.u32 s5, $0xB;
	v8 =	vor.u32 $0x1000, v0;
	v9 =	vor.u32 $0x1200, v0;
	v10 =	vor.u32 $0x1400, v0  }
0x10: {  	s5 =	sshll.u32 s5, $0x6;
	s7 =	sshrl.u32 s4, $0x1;
	v11 =	vor.u32 $0x1600, v0;
	v12 =	vor.u32 $0x1800, v0;
	v13 =	vor.u32 $0x1A00, v0;
	s6 =	sadd.s32 s6, s0  }
0x11: {  	v14 =	vor.u32 $0x1C00, v0;
	v15 =	vor.u32 $0x1E00, v0;
	v16 =	vor.u32 $0x2000, v0;
	s0 =	sadd.s32 s5, s0;
	s4 =	ssub.s32 s4, s7;
	s21 =	sadd.s32 s1, s5  }
0x12: {  	v17 =	vor.u32 $0x2200, v0;
	v18 =	vor.u32 $0x2400, v0;
	v19 =	vor.u32 $0x2600, v0;
	s1 =	simm.s32 $0xA970;
	s6 =	sadd.s32 $0x1000, s6;
	[dreg:$0x9] =	wrdreg s21  }
0x13: {  	v20 =	vor.u32 $0x2800, v0;
	v21 =	vor.u32 $0x2A00, v0;
	v22 =	vor.u32 $0x2C00, v0;
	s5 =	simm.s32 $0xA990;
	s0 =	sadd.s32 $0x62400, s0;
	[dreg:$0x7] =	wrdreg s6  }
0x14: {  	v23 =	vor.u32 $0x2E00, v0;
	v24 =	vor.u32 $0x3000, v0;
	v25 =	vor.u32 $0x3200, v0;
	s7 =	simm.s32 $0xA9B0;
	s22 =	smax.u32 s4, $0x1;
	[dreg:$0x8] =	wrdreg s0  }
0x15: {  	v26 =	vor.u32 $0x3400, v0;
	v27 =	vor.u32 $0x3600, v0;
	v28 =	vor.u32 $0x3800, v0;
	s21 =	simm.s32 $0xA8C0;
	s4 =	simm.s32 $0xA980;
	[dreg:$0xa] =	wrdreg s22  }
0x16: {  	v29 =	vor.u32 $0x3A00, v0;
	v30 =	vor.u32 $0x3C00, v0;
	v31 =	vor.u32 $0x3E00, v0;
	s0 =	simm.s32 $0x0;
	s22 =	simm.s32 $0xA8D0;
	s6 =	simm.s32 $0xA9A0  }
.LBB2_1:
0x17: {  	v32 =	vmov s2  }
0x18: {  	v32 =	vand.u32 $0x1F, v32  }
0x19: {  	v32 =	vbroadcast v32, $0x0  }
0x1a: {  	[dreg:$0xc] =	wrdreg s0  }
0x1b: {  	s9 =	rddreg [dreg:$0x7];
	v33 =	vor.u32 v0, v32  }
0x1c: {  	[tilespmem:s2], [sflag:$0x2] =	stream.linear.gather [hbm4b:s9+s2], $0x4000, $0x38;
	[tilespmem:$0xAA00] =	vst v63  }
0x1d: {  	_ =	swait.ge [sflag:s10], $0x4000  }
0x1e: {  	[sflag:s10] =	ssyncset.done $0x0  }
0x1f: {  	[sflag:s10] =	ssyncadd.s32 $0xFFFFC000  }
0x20: {  	v33 =	vld.idx.msk [tilespmem:v33+s2+$0x0], $0xffff  }
0x21: {  	v34 =	vor.u32 v1, v32;
	_ =	sdelay $0x2  }
0x22: {  	s0 =	simm.s32 $0x4000  }
0x23: {  	[tilespmem:s0+$0x0] =	vst v33  }
0x24: {  	v33 =	vld.idx.msk [tilespmem:v34+s2+$0x0], $0xffff  }
0x25: {  	v60 =	vor.u32 v2, v32;
	_ =	sdelay $0x3  }
0x26: {  	[tilespmem:s0+$0x10] =	vst v33  }
0x27: {  	v33 =	vld.idx.msk [tilespmem:v60+s2+$0x0], $0xffff  }
0x28: {  	v61 =	vor.u32 v3, v32;
	_ =	sdelay $0x3  }
0x29: {  	[tilespmem:s0+$0x20] =	vst v33  }
0x2a: {  	v33 =	vld.idx.msk [tilespmem:v61+s2+$0x0], $0xffff  }
0x2b: {  	v62 =	vor.u32 v4, v32;
	_ =	sdelay $0x3  }
0x2c: {  	[tilespmem:s0+$0x30] =	vst v33  }
0x2d: {  	v33 =	vld.idx.msk [tilespmem:v62+s2+$0x0], $0xffff  }
0x2e: {  	v63 =	vor.u32 v5, v32;
	_ =	sdelay $0x3  }
0x2f: {  	[tilespmem:s0+$0x40] =	vst v33  }
0x30: {  	v33 =	vld.idx.msk [tilespmem:v63+s2+$0x0], $0xffff  }
0x31: {  	v36 =	vor.u32 v6, v32;
	_ =	sdelay $0x3  }
0x32: {  	[tilespmem:s0+$0x50] =	vst v33  }
0x33: {  	v33 =	vld.idx.msk [tilespmem:v36+s2+$0x0], $0xffff  }
0x34: {  	v37 =	vor.u32 v7, v32;
	_ =	sdelay $0x3  }
0x35: {  	[tilespmem:s0+$0x60] =	vst v33  }
0x36: {  	v33 =	vld.idx.msk [tilespmem:v37+s2+$0x0], $0xffff  }
0x37: {  	v38 =	vor.u32 v8, v32;
	_ =	sdelay $0x3  }
0x38: {  	[tilespmem:s0+$0x70] =	vst v33  }
0x39: {  	v33 =	vld.idx.msk [tilespmem:v38+s2+$0x0], $0xffff  }
0x3a: {  	v39 =	vor.u32 v9, v32;
	_ =	sdelay $0x3  }
0x3b: {  	[tilespmem:s0+$0x80] =	vst v33  }
0x3c: {  	v33 =	vld.idx.msk [tilespmem:v39+s2+$0x0], $0xffff  }
0x3d: {  	v40 =	vor.u32 v10, v32;
	_ =	sdelay $0x3  }
0x3e: {  	[tilespmem:s0+$0x90] =	vst v33  }
0x3f: {  	v33 =	vld.idx.msk [tilespmem:v40+s2+$0x0], $0xffff  }
0x40: {  	v41 =	vor.u32 v11, v32;
	_ =	sdelay $0x3  }
0x41: {  	[tilespmem:s0+$0xA0] =	vst v33  }
0x42: {  	v33 =	vld.idx.msk [tilespmem:v41+s2+$0x0], $0xffff  }
0x43: {  	v42 =	vor.u32 v12, v32;
	_ =	sdelay $0x3  }
0x44: {  	[tilespmem:s0+$0xB0] =	vst v33  }
0x45: {  	v33 =	vld.idx.msk [tilespmem:v42+s2+$0x0], $0xffff  }
0x46: {  	v43 =	vor.u32 v13, v32;
	_ =	sdelay $0x3  }
0x47: {  	[tilespmem:s0+$0xC0] =	vst v33  }
0x48: {  	v33 =	vld.idx.msk [tilespmem:v43+s2+$0x0], $0xffff  }
0x49: {  	v44 =	vor.u32 v14, v32;
	_ =	sdelay $0x3  }
0x4a: {  	[tilespmem:s0+$0xD0] =	vst v33  }
0x4b: {  	v33 =	vld.idx.msk [tilespmem:v44+s2+$0x0], $0xffff  }
0x4c: {  	v45 =	vor.u32 v15, v32;
	_ =	sdelay $0x3  }
0x4d: {  	[tilespmem:s0+$0xE0] =	vst v33  }
0x4e: {  	v33 =	vld.idx.msk [tilespmem:v45+s2+$0x0], $0xffff  }
0x4f: {  	v46 =	vor.u32 v16, v32;
	_ =	sdelay $0x3  }
0x50: {  	[tilespmem:s0+$0xF0] =	vst v33  }
0x51: {  	v33 =	vld.idx.msk [tilespmem:v46+s2+$0x0], $0xffff  }
0x52: {  	v47 =	vor.u32 v17, v32;
	_ =	sdelay $0x3  }
0x53: {  	[tilespmem:s0+$0x100] =	vst v33  }
0x54: {  	v33 =	vld.idx.msk [tilespmem:v47+s2+$0x0], $0xffff  }
0x55: {  	v48 =	vor.u32 v18, v32;
	_ =	sdelay $0x3  }
0x56: {  	[tilespmem:s0+$0x110] =	vst v33  }
0x57: {  	v33 =	vld.idx.msk [tilespmem:v48+s2+$0x0], $0xffff  }
0x58: {  	v49 =	vor.u32 v19, v32;
	_ =	sdelay $0x3  }
0x59: {  	[tilespmem:s0+$0x120] =	vst v33  }
0x5a: {  	v33 =	vld.idx.msk [tilespmem:v49+s2+$0x0], $0xffff  }
0x5b: {  	v50 =	vor.u32 v20, v32;
	_ =	sdelay $0x3  }
0x5c: {  	[tilespmem:s0+$0x130] =	vst v33  }
0x5d: {  	v33 =	vld.idx.msk [tilespmem:v50+s2+$0x0], $0xffff  }
0x5e: {  	v51 =	vor.u32 v21, v32;
	_ =	sdelay $0x3  }
0x5f: {  	[tilespmem:s0+$0x140] =	vst v33  }
0x60: {  	v33 =	vld.idx.msk [tilespmem:v51+s2+$0x0], $0xffff  }
0x61: {  	v52 =	vor.u32 v22, v32;
	_ =	sdelay $0x3  }
0x62: {  	[tilespmem:s0+$0x150] =	vst v33  }
0x63: {  	v33 =	vld.idx.msk [tilespmem:v52+s2+$0x0], $0xffff  }
0x64: {  	v53 =	vor.u32 v23, v32;
	_ =	sdelay $0x3  }
0x65: {  	[tilespmem:s0+$0x160] =	vst v33  }
0x66: {  	v33 =	vld.idx.msk [tilespmem:v53+s2+$0x0], $0xffff  }
0x67: {  	v54 =	vor.u32 v24, v32;
	_ =	sdelay $0x3  }
0x68: {  	[tilespmem:s0+$0x170] =	vst v33  }
0x69: {  	v33 =	vld.idx.msk [tilespmem:v54+s2+$0x0], $0xffff  }
0x6a: {  	v55 =	vor.u32 v25, v32;
	_ =	sdelay $0x3  }
0x6b: {  	[tilespmem:s0+$0x180] =	vst v33  }
0x6c: {  	v33 =	vld.idx.msk [tilespmem:v55+s2+$0x0], $0xffff  }
0x6d: {  	v56 =	vor.u32 v26, v32;
	_ =	sdelay $0x3  }
0x6e: {  	[tilespmem:s0+$0x190] =	vst v33  }
0x6f: {  	v33 =	vld.idx.msk [tilespmem:v56+s2+$0x0], $0xffff  }
0x70: {  	v57 =	vor.u32 v27, v32;
	_ =	sdelay $0x3  }
0x71: {  	[tilespmem:s0+$0x1A0] =	vst v33  }
0x72: {  	v33 =	vld.idx.msk [tilespmem:v57+s2+$0x0], $0xffff  }
0x73: {  	v58 =	vor.u32 v28, v32;
	_ =	sdelay $0x3  }
0x74: {  	[tilespmem:s0+$0x1B0] =	vst v33  }
0x75: {  	v33 =	vld.idx.msk [tilespmem:v58+s2+$0x0], $0xffff  }
0x76: {  	v59 =	vor.u32 v29, v32;
	_ =	sdelay $0x3  }
0x77: {  	[tilespmem:s0+$0x1C0] =	vst v33  }
0x78: {  	v33 =	vld.idx.msk [tilespmem:v59+s2+$0x0], $0xffff  }
0x79: {  	v60 =	vor.u32 v30, v32;
	_ =	sdelay $0x3  }
0x7a: {  	[tilespmem:s0+$0x1D0] =	vst v33  }
0x7b: {  	v33 =	vld.idx.msk [tilespmem:v60+s2+$0x0], $0xffff  }
0x7c: {  	v32 =	vor.u32 v31, v32;
	_ =	sdelay $0x1  }
0x7d: {  	s13 =	simm.s32 $0x1  }
0x7e: {  	v61 =	vmov s13  }
0x7f: {  	v34 =	vand.u32 $0x1F, v61;
	[tilespmem:s0+$0x1E0] =	vst v33  }
0x80: {  	v33 =	vbroadcast v34, $0x0;
	v32 =	vld.idx.msk [tilespmem:v32+s2+$0x0], $0xffff;
	_ =	sdelay $0x1  }
0x81: {  	v34 =	vor.u32 v0, v33;
	_ =	sdelay $0x2  }
0x82: {  	s10 =	simm.s32 $0x7400;
	[tilespmem:s0+$0x1F0] =	vst v32  }
0x83: {  	[tilespmem:s10], [sflag:$0x1] =	stream.indirect.gather [hbm4b:s3+s12], $0x1, s0, s12, $0xb8;
	[tilespmem:$0xAA00] =	vst v63  }
0x84: {  	v32 =	vld.idx.msk [tilespmem:v34+s2+$0x0], $0xffff  }
0x85: {  	v62 =	vor.u32 v1, v33;
	_ =	sdelay $0x2  }
0x86: {  	s9 =	simm.s32 $0x4200  }
0x87: {  	[tilespmem:s9+$0x0] =	vst v32  }
0x88: {  	v32 =	vld.idx.msk [tilespmem:v62+s2+$0x0], $0xffff  }
0x89: {  	v63 =	vor.u32 v2, v33;
	_ =	sdelay $0x3  }
0x8a: {  	[tilespmem:s9+$0x10] =	vst v32  }
0x8b: {  	v32 =	vld.idx.msk [tilespmem:v63+s2+$0x0], $0xffff  }
0x8c: {  	v36 =	vor.u32 v3, v33;
	_ =	sdelay $0x3  }
0x8d: {  	[tilespmem:s9+$0x20] =	vst v32  }
0x8e: {  	v32 =	vld.idx.msk [tilespmem:v36+s2+$0x0], $0xffff  }
0x8f: {  	v37 =	vor.u32 v4, v33;
	_ =	sdelay $0x3  }
0x90: {  	[tilespmem:s9+$0x30] =	vst v32  }
0x91: {  	v32 =	vld.idx.msk [tilespmem:v37+s2+$0x0], $0xffff  }
0x92: {  	v38 =	vor.u32 v5, v33;
	_ =	sdelay $0x3  }
0x93: {  	[tilespmem:s9+$0x40] =	vst v32  }
0x94: {  	v32 =	vld.idx.msk [tilespmem:v38+s2+$0x0], $0xffff  }
0x95: {  	v39 =	vor.u32 v6, v33;
	_ =	sdelay $0x3  }
0x96: {  	[tilespmem:s9+$0x50] =	vst v32  }
0x97: {  	v32 =	vld.idx.msk [tilespmem:v39+s2+$0x0], $0xffff  }
0x98: {  	v40 =	vor.u32 v7, v33;
	_ =	sdelay $0x3  }
0x99: {  	[tilespmem:s9+$0x60] =	vst v32  }
0x9a: {  	v32 =	vld.idx.msk [tilespmem:v40+s2+$0x0], $0xffff  }
0x9b: {  	v41 =	vor.u32 v8, v33;
	_ =	sdelay $0x3  }
0x9c: {  	[tilespmem:s9+$0x70] =	vst v32  }
0x9d: {  	v32 =	vld.idx.msk [tilespmem:v41+s2+$0x0], $0xffff  }
0x9e: {  	v42 =	vor.u32 v9, v33;
	_ =	sdelay $0x3  }
0x9f: {  	[tilespmem:s9+$0x80] =	vst v32  }
0xa0: {  	v32 =	vld.idx.msk [tilespmem:v42+s2+$0x0], $0xffff  }
0xa1: {  	v43 =	vor.u32 v10, v33;
	_ =	sdelay $0x3  }
0xa2: {  	[tilespmem:s9+$0x90] =	vst v32  }
0xa3: {  	v32 =	vld.idx.msk [tilespmem:v43+s2+$0x0], $0xffff  }
0xa4: {  	v44 =	vor.u32 v11, v33;
	_ =	sdelay $0x3  }
0xa5: {  	[tilespmem:s9+$0xA0] =	vst v32  }
0xa6: {  	v32 =	vld.idx.msk [tilespmem:v44+s2+$0x0], $0xffff  }
0xa7: {  	v45 =	vor.u32 v12, v33;
	_ =	sdelay $0x3  }
0xa8: {  	[tilespmem:s9+$0xB0] =	vst v32  }
0xa9: {  	v32 =	vld.idx.msk [tilespmem:v45+s2+$0x0], $0xffff  }
0xaa: {  	v46 =	vor.u32 v13, v33;
	_ =	sdelay $0x3  }
0xab: {  	[tilespmem:s9+$0xC0] =	vst v32  }
0xac: {  	v32 =	vld.idx.msk [tilespmem:v46+s2+$0x0], $0xffff  }
0xad: {  	v47 =	vor.u32 v14, v33;
	_ =	sdelay $0x3  }
0xae: {  	[tilespmem:s9+$0xD0] =	vst v32  }
0xaf: {  	v32 =	vld.idx.msk [tilespmem:v47+s2+$0x0], $0xffff  }
0xb0: {  	v48 =	vor.u32 v15, v33;
	_ =	sdelay $0x3  }
0xb1: {  	[tilespmem:s9+$0xE0] =	vst v32  }
0xb2: {  	v32 =	vld.idx.msk [tilespmem:v48+s2+$0x0], $0xffff  }
0xb3: {  	v49 =	vor.u32 v16, v33;
	_ =	sdelay $0x3  }
0xb4: {  	[tilespmem:s9+$0xF0] =	vst v32  }
0xb5: {  	v32 =	vld.idx.msk [tilespmem:v49+s2+$0x0], $0xffff  }
0xb6: {  	v50 =	vor.u32 v17, v33;
	_ =	sdelay $0x3  }
0xb7: {  	[tilespmem:s9+$0x100] =	vst v32  }
0xb8: {  	v32 =	vld.idx.msk [tilespmem:v50+s2+$0x0], $0xffff  }
0xb9: {  	v51 =	vor.u32 v18, v33;
	_ =	sdelay $0x3  }
0xba: {  	[tilespmem:s9+$0x110] =	vst v32  }
0xbb: {  	v32 =	vld.idx.msk [tilespmem:v51+s2+$0x0], $0xffff  }
0xbc: {  	v52 =	vor.u32 v19, v33;
	_ =	sdelay $0x3  }
0xbd: {  	[tilespmem:s9+$0x120] =	vst v32  }
0xbe: {  	v32 =	vld.idx.msk [tilespmem:v52+s2+$0x0], $0xffff  }
0xbf: {  	v53 =	vor.u32 v20, v33;
	_ =	sdelay $0x3  }
0xc0: {  	[tilespmem:s9+$0x130] =	vst v32  }
0xc1: {  	v32 =	vld.idx.msk [tilespmem:v53+s2+$0x0], $0xffff  }
0xc2: {  	v54 =	vor.u32 v21, v33;
	_ =	sdelay $0x3  }
0xc3: {  	[tilespmem:s9+$0x140] =	vst v32  }
0xc4: {  	v32 =	vld.idx.msk [tilespmem:v54+s2+$0x0], $0xffff  }
0xc5: {  	v55 =	vor.u32 v22, v33;
	_ =	sdelay $0x3  }
0xc6: {  	[tilespmem:s9+$0x150] =	vst v32  }
0xc7: {  	v32 =	vld.idx.msk [tilespmem:v55+s2+$0x0], $0xffff  }
0xc8: {  	v56 =	vor.u32 v23, v33;
	_ =	sdelay $0x3  }
0xc9: {  	[tilespmem:s9+$0x160] =	vst v32  }
0xca: {  	v32 =	vld.idx.msk [tilespmem:v56+s2+$0x0], $0xffff  }
0xcb: {  	v57 =	vor.u32 v24, v33;
	_ =	sdelay $0x3  }
0xcc: {  	[tilespmem:s9+$0x170] =	vst v32  }
0xcd: {  	v32 =	vld.idx.msk [tilespmem:v57+s2+$0x0], $0xffff  }
0xce: {  	v58 =	vor.u32 v25, v33;
	_ =	sdelay $0x3  }
0xcf: {  	[tilespmem:s9+$0x180] =	vst v32  }
0xd0: {  	v32 =	vld.idx.msk [tilespmem:v58+s2+$0x0], $0xffff  }
0xd1: {  	v59 =	vor.u32 v26, v33;
	_ =	sdelay $0x3  }
0xd2: {  	[tilespmem:s9+$0x190] =	vst v32  }
0xd3: {  	v32 =	vld.idx.msk [tilespmem:v59+s2+$0x0], $0xffff  }
0xd4: {  	v60 =	vor.u32 v27, v33;
	_ =	sdelay $0x3  }
0xd5: {  	[tilespmem:s9+$0x1A0] =	vst v32  }
0xd6: {  	v32 =	vld.idx.msk [tilespmem:v60+s2+$0x0], $0xffff  }
0xd7: {  	v61 =	vor.u32 v28, v33;
	_ =	sdelay $0x3  }
0xd8: {  	[tilespmem:s9+$0x1B0] =	vst v32  }
0xd9: {  	v32 =	vld.idx.msk [tilespmem:v61+s2+$0x0], $0xffff  }
0xda: {  	v62 =	vor.u32 v29, v33;
	_ =	sdelay $0x3  }
0xdb: {  	[tilespmem:s9+$0x1C0] =	vst v32  }
0xdc: {  	v32 =	vld.idx.msk [tilespmem:v62+s2+$0x0], $0xffff  }
0xdd: {  	v63 =	vor.u32 v30, v33;
	_ =	sdelay $0x3  }
0xde: {  	[tilespmem:s9+$0x1D0] =	vst v32  }
0xdf: {  	v34 =	vld.idx.msk [tilespmem:v63+s2+$0x0], $0xffff  }
0xe0: {  	v33 =	vor.u32 v31, v33;
	_ =	sdelay $0x1  }
0xe1: {  	s0 =	simm.s32 $0x2  }
0xe2: {  	s13 =	simm.s32 $0x200;
	s12 =	simm.s32 $0x3;
	v32 =	vmov s0  }
.LBB2_2:
0xe3: {  	p0 =	sne.s32 s12, $0x19;
	v32 =	vand.u32 $0x1F, v32;
	[tilespmem:s9+$0x1E0] =	vst v34  }
0xe4: {  	v32 =	vbroadcast v32, $0x0;
	v33 =	vld.idx.msk [tilespmem:v33+s2+$0x0], $0xffff;
	_ =	sdelay $0x1  }
0xe5: {  	v34 =	vor.u32 v0, v32;
	_ =	sdelay $0x2  }
0xe6: {  	s10 =	sadd.s32 $0x200, s10  }
0xe7: {  	[tilespmem:s9+$0x1F0] =	vst v33;
	[tilespmem:s10], [sflag:$0x1] =	stream.indirect.gather [hbm4b:s3+s13], $0x1, s9, s13, $0xb8  }
0xe8: {  	v33 =	vld.idx.msk [tilespmem:v34+s2+$0x0], $0xffff;
	_ =	sdelay $0x1  }
0xe9: {  	v34 =	vor.u32 v1, v32;
	_ =	sdelay $0x2  }
0xea: {  	s9 =	sadd.s32 $0x200, s9  }
0xeb: {  	[tilespmem:s9+$0x0] =	vst v33  }
0xec: {  	v33 =	vld.idx.msk [tilespmem:v34+s2+$0x0], $0xffff;
	_ =	sdelay $0x1  }
0xed: {  	v34 =	vor.u32 v2, v32;
	_ =	sdelay $0x3  }
0xee: {  	[tilespmem:s9+$0x10] =	vst v33  }
0xef: {  	v33 =	vld.idx.msk [tilespmem:v34+s2+$0x0], $0xffff;
	_ =	sdelay $0x1  }
0xf0: {  	v34 =	vor.u32 v3, v32;
	_ =	sdelay $0x3  }
0xf1: {  	[tilespmem:s9+$0x20] =	vst v33  }
0xf2: {  	v33 =	vld.idx.msk [tilespmem:v34+s2+$0x0], $0xffff;
	_ =	sdelay $0x1  }
0xf3: {  	v34 =	vor.u32 v4, v32;
	_ =	sdelay $0x3  }
0xf4: {  	[tilespmem:s9+$0x30] =	vst v33  }
0xf5: {  	v33 =	vld.idx.msk [tilespmem:v34+s2+$0x0], $0xffff;
	_ =	sdelay $0x1  }
0xf6: {  	v34 =	vor.u32 v5, v32;
	_ =	sdelay $0x3  }
0xf7: {  	[tilespmem:s9+$0x40] =	vst v33  }
0xf8: {  	v33 =	vld.idx.msk [tilespmem:v34+s2+$0x0], $0xffff;
	_ =	sdelay $0x1  }
0xf9: {  	v34 =	vor.u32 v6, v32;
	_ =	sdelay $0x3  }
0xfa: {  	[tilespmem:s9+$0x50] =	vst v33  }
0xfb: {  	v33 =	vld.idx.msk [tilespmem:v34+s2+$0x0], $0xffff;
	_ =	sdelay $0x1  }
0xfc: {  	v34 =	vor.u32 v7, v32;
	_ =	sdelay $0x3  }
0xfd: {  	[tilespmem:s9+$0x60] =	vst v33  }
0xfe: {  	v33 =	vld.idx.msk [tilespmem:v34+s2+$0x0], $0xffff;
	_ =	sdelay $0x1  }
0xff: {  	v34 =	vor.u32 v8, v32;
	_ =	sdelay $0x3  }
0x100: {  	[tilespmem:s9+$0x70] =	vst v33  }
0x101: {  	v33 =	vld.idx.msk [tilespmem:v34+s2+$0x0], $0xffff;
	_ =	sdelay $0x1  }
0x102: {  	v34 =	vor.u32 v9, v32;
	_ =	sdelay $0x3  }
0x103: {  	[tilespmem:s9+$0x80] =	vst v33  }
0x104: {  	v33 =	vld.idx.msk [tilespmem:v34+s2+$0x0], $0xffff;
	_ =	sdelay $0x1  }
0x105: {  	v34 =	vor.u32 v10, v32;
	_ =	sdelay $0x3  }
0x106: {  	[tilespmem:s9+$0x90] =	vst v33  }
0x107: {  	v33 =	vld.idx.msk [tilespmem:v34+s2+$0x0], $0xffff;
	_ =	sdelay $0x1  }
0x108: {  	v34 =	vor.u32 v11, v32;
	_ =	sdelay $0x3  }
0x109: {  	[tilespmem:s9+$0xA0] =	vst v33  }
0x10a: {  	v33 =	vld.idx.msk [tilespmem:v34+s2+$0x0], $0xffff;
	_ =	sdelay $0x1  }
0x10b: {  	v34 =	vor.u32 v12, v32;
	_ =	sdelay $0x3  }
0x10c: {  	[tilespmem:s9+$0xB0] =	vst v33  }
0x10d: {  	v33 =	vld.idx.msk [tilespmem:v34+s2+$0x0], $0xffff;
	_ =	sdelay $0x1  }
0x10e: {  	v34 =	vor.u32 v13, v32;
	_ =	sdelay $0x3  }
0x10f: {  	[tilespmem:s9+$0xC0] =	vst v33  }
0x110: {  	v33 =	vld.idx.msk [tilespmem:v34+s2+$0x0], $0xffff;
	_ =	sdelay $0x1  }
0x111: {  	v34 =	vor.u32 v14, v32;
	_ =	sdelay $0x3  }
0x112: {  	[tilespmem:s9+$0xD0] =	vst v33  }
0x113: {  	v33 =	vld.idx.msk [tilespmem:v34+s2+$0x0], $0xffff;
	_ =	sdelay $0x1  }
0x114: {  	v34 =	vor.u32 v15, v32;
	_ =	sdelay $0x3  }
0x115: {  	[tilespmem:s9+$0xE0] =	vst v33  }
0x116: {  	v33 =	vld.idx.msk [tilespmem:v34+s2+$0x0], $0xffff;
	_ =	sdelay $0x1  }
0x117: {  	v34 =	vor.u32 v16, v32;
	_ =	sdelay $0x3  }
0x118: {  	[tilespmem:s9+$0xF0] =	vst v33  }
0x119: {  	v33 =	vld.idx.msk [tilespmem:v34+s2+$0x0], $0xffff;
	_ =	sdelay $0x1  }
0x11a: {  	v34 =	vor.u32 v17, v32;
	_ =	sdelay $0x3  }
0x11b: {  	[tilespmem:s9+$0x100] =	vst v33  }
0x11c: {  	v33 =	vld.idx.msk [tilespmem:v34+s2+$0x0], $0xffff;
	_ =	sdelay $0x1  }
0x11d: {  	v34 =	vor.u32 v18, v32;
	_ =	sdelay $0x3  }
0x11e: {  	[tilespmem:s9+$0x110] =	vst v33  }
0x11f: {  	v33 =	vld.idx.msk [tilespmem:v34+s2+$0x0], $0xffff;
	_ =	sdelay $0x1  }
0x120: {  	v34 =	vor.u32 v19, v32;
	_ =	sdelay $0x3  }
0x121: {  	[tilespmem:s9+$0x120] =	vst v33  }
0x122: {  	v33 =	vld.idx.msk [tilespmem:v34+s2+$0x0], $0xffff;
	_ =	sdelay $0x1  }
0x123: {  	v34 =	vor.u32 v20, v32;
	_ =	sdelay $0x3  }
0x124: {  	[tilespmem:s9+$0x130] =	vst v33  }
0x125: {  	v33 =	vld.idx.msk [tilespmem:v34+s2+$0x0], $0xffff;
	_ =	sdelay $0x1  }
0x126: {  	v34 =	vor.u32 v21, v32;
	_ =	sdelay $0x3  }
0x127: {  	[tilespmem:s9+$0x140] =	vst v33  }
0x128: {  	v33 =	vld.idx.msk [tilespmem:v34+s2+$0x0], $0xffff;
	_ =	sdelay $0x1  }
0x129: {  	v34 =	vor.u32 v22, v32;
	_ =	sdelay $0x3  }
0x12a: {  	[tilespmem:s9+$0x150] =	vst v33  }
0x12b: {  	v33 =	vld.idx.msk [tilespmem:v34+s2+$0x0], $0xffff;
	_ =	sdelay $0x1  }
0x12c: {  	v34 =	vor.u32 v23, v32;
	_ =	sdelay $0x3  }
0x12d: {  	[tilespmem:s9+$0x160] =	vst v33  }
0x12e: {  	v33 =	vld.idx.msk [tilespmem:v34+s2+$0x0], $0xffff;
	_ =	sdelay $0x1  }
0x12f: {  	v34 =	vor.u32 v24, v32;
	_ =	sdelay $0x3  }
0x130: {  	[tilespmem:s9+$0x170] =	vst v33  }
0x131: {  	v33 =	vld.idx.msk [tilespmem:v34+s2+$0x0], $0xffff;
	_ =	sdelay $0x1  }
0x132: {  	v34 =	vor.u32 v25, v32;
	_ =	sdelay $0x3  }
0x133: {  	[tilespmem:s9+$0x180] =	vst v33  }
0x134: {  	v33 =	vld.idx.msk [tilespmem:v34+s2+$0x0], $0xffff;
	_ =	sdelay $0x1  }
0x135: {  	v34 =	vor.u32 v26, v32;
	_ =	sdelay $0x3  }
0x136: {  	[tilespmem:s9+$0x190] =	vst v33  }
0x137: {  	v33 =	vld.idx.msk [tilespmem:v34+s2+$0x0], $0xffff;
	_ =	sdelay $0x1  }
0x138: {  	v34 =	vor.u32 v27, v32;
	_ =	sdelay $0x3  }
0x139: {  	[tilespmem:s9+$0x1A0] =	vst v33  }
0x13a: {  	v33 =	vld.idx.msk [tilespmem:v34+s2+$0x0], $0xffff;
	_ =	sdelay $0x1  }
0x13b: {  	v34 =	vor.u32 v28, v32;
	_ =	sdelay $0x3  }
0x13c: {  	[tilespmem:s9+$0x1B0] =	vst v33  }
0x13d: {  	v33 =	vld.idx.msk [tilespmem:v34+s2+$0x0], $0xffff;
	_ =	sdelay $0x1  }
0x13e: {  	v34 =	vor.u32 v29, v32;
	_ =	sdelay $0x3  }
0x13f: {  	[tilespmem:s9+$0x1C0] =	vst v33  }
0x140: {  	v33 =	vld.idx.msk [tilespmem:v34+s2+$0x0], $0xffff;
	_ =	sdelay $0x1  }
0x141: {  	v34 =	vor.u32 v30, v32;
	_ =	sdelay $0x3  }
0x142: {  	[tilespmem:s9+$0x1D0] =	vst v33  }
0x143: {  	v34 =	vld.idx.msk [tilespmem:v34+s2+$0x0], $0xffff  }
.Ltmp0:
0x144: {  	(pc) =	sbr.rel @p0 .LBB2_2-.Ltmp0, $2  }
0x145: {  	v33 =	vor.u32 v31, v32;
	_ =	sdelay $0x2  }
0x146: {  	v32 =	vmov s12;
	s12 =	sadd.s32 $0x1, s12  }
0x147: {  	_ =	sdelay $0x2  }
0x148: {  	v32 =	vand.u32 $0x1F, v32;
	[tilespmem:s9+$0x1E0] =	vst v34  }
0x149: {  	v32 =	vbroadcast v32, $0x0;
	v33 =	vld.idx.msk [tilespmem:v33+s2+$0x0], $0xffff;
	_ =	sdelay $0x1  }
0x14a: {  	v61 =	vor.u32 v0, v32;
	_ =	sdelay $0x2  }
0x14b: {  	s10 =	sadd.s32 $0x200, s10;
	[tilespmem:s9+$0x1F0] =	vst v33  }
0x14c: {  	[tilespmem:s10], [sflag:$0x1] =	stream.indirect.gather [hbm4b:s3+s13], $0x1, s9, s13, $0xb8;
	[tilespmem:$0xAA00] =	vst v63  }
0x14d: {  	v33 =	vld.idx.msk [tilespmem:v61+s2+$0x0], $0xffff  }
0x14e: {  	v62 =	vor.u32 v1, v32;
	_ =	sdelay $0x2  }
0x14f: {  	s12 =	sadd.s32 $0x200, s9  }
0x150: {  	[tilespmem:s12+$0x0] =	vst v33  }
0x151: {  	v33 =	vld.idx.msk [tilespmem:v62+s2+$0x0], $0xffff  }
0x152: {  	v63 =	vor.u32 v2, v32;
	_ =	sdelay $0x3  }
0x153: {  	[tilespmem:s12+$0x10] =	vst v33  }
0x154: {  	v33 =	vld.idx.msk [tilespmem:v63+s2+$0x0], $0xffff  }
0x155: {  	v36 =	vor.u32 v3, v32;
	_ =	sdelay $0x3  }
0x156: {  	[tilespmem:s12+$0x20] =	vst v33  }
0x157: {  	v33 =	vld.idx.msk [tilespmem:v36+s2+$0x0], $0xffff  }
0x158: {  	v37 =	vor.u32 v4, v32;
	_ =	sdelay $0x3  }
0x159: {  	[tilespmem:s12+$0x30] =	vst v33  }
0x15a: {  	v33 =	vld.idx.msk [tilespmem:v37+s2+$0x0], $0xffff  }
0x15b: {  	v38 =	vor.u32 v5, v32;
	_ =	sdelay $0x3  }
0x15c: {  	[tilespmem:s12+$0x40] =	vst v33  }
0x15d: {  	v33 =	vld.idx.msk [tilespmem:v38+s2+$0x0], $0xffff  }
0x15e: {  	v39 =	vor.u32 v6, v32;
	_ =	sdelay $0x3  }
0x15f: {  	[tilespmem:s12+$0x50] =	vst v33  }
0x160: {  	v33 =	vld.idx.msk [tilespmem:v39+s2+$0x0], $0xffff  }
0x161: {  	v40 =	vor.u32 v7, v32;
	_ =	sdelay $0x3  }
0x162: {  	[tilespmem:s12+$0x60] =	vst v33  }
0x163: {  	v33 =	vld.idx.msk [tilespmem:v40+s2+$0x0], $0xffff  }
0x164: {  	v41 =	vor.u32 v8, v32;
	_ =	sdelay $0x3  }
0x165: {  	[tilespmem:s12+$0x70] =	vst v33  }
0x166: {  	v33 =	vld.idx.msk [tilespmem:v41+s2+$0x0], $0xffff  }
0x167: {  	v42 =	vor.u32 v9, v32;
	_ =	sdelay $0x3  }
0x168: {  	[tilespmem:s12+$0x80] =	vst v33  }
0x169: {  	v33 =	vld.idx.msk [tilespmem:v42+s2+$0x0], $0xffff  }
0x16a: {  	v43 =	vor.u32 v10, v32;
	_ =	sdelay $0x3  }
0x16b: {  	[tilespmem:s12+$0x90] =	vst v33  }
0x16c: {  	v33 =	vld.idx.msk [tilespmem:v43+s2+$0x0], $0xffff  }
0x16d: {  	v44 =	vor.u32 v11, v32;
	_ =	sdelay $0x3  }
0x16e: {  	[tilespmem:s12+$0xA0] =	vst v33  }
0x16f: {  	v33 =	vld.idx.msk [tilespmem:v44+s2+$0x0], $0xffff  }
0x170: {  	v45 =	vor.u32 v12, v32;
	_ =	sdelay $0x3  }
0x171: {  	[tilespmem:s12+$0xB0] =	vst v33  }
0x172: {  	v33 =	vld.idx.msk [tilespmem:v45+s2+$0x0], $0xffff  }
0x173: {  	v46 =	vor.u32 v13, v32;
	_ =	sdelay $0x3  }
0x174: {  	[tilespmem:s12+$0xC0] =	vst v33  }
0x175: {  	v33 =	vld.idx.msk [tilespmem:v46+s2+$0x0], $0xffff  }
0x176: {  	v47 =	vor.u32 v14, v32;
	_ =	sdelay $0x3  }
0x177: {  	[tilespmem:s12+$0xD0] =	vst v33  }
0x178: {  	v33 =	vld.idx.msk [tilespmem:v47+s2+$0x0], $0xffff  }
0x179: {  	v48 =	vor.u32 v15, v32;
	_ =	sdelay $0x3  }
0x17a: {  	[tilespmem:s12+$0xE0] =	vst v33  }
0x17b: {  	v33 =	vld.idx.msk [tilespmem:v48+s2+$0x0], $0xffff  }
0x17c: {  	v49 =	vor.u32 v16, v32;
	_ =	sdelay $0x3  }
0x17d: {  	[tilespmem:s12+$0xF0] =	vst v33  }
0x17e: {  	v33 =	vld.idx.msk [tilespmem:v49+s2+$0x0], $0xffff  }
0x17f: {  	v50 =	vor.u32 v17, v32;
	_ =	sdelay $0x3  }
0x180: {  	[tilespmem:s12+$0x100] =	vst v33  }
0x181: {  	v33 =	vld.idx.msk [tilespmem:v50+s2+$0x0], $0xffff  }
0x182: {  	v51 =	vor.u32 v18, v32;
	_ =	sdelay $0x3  }
0x183: {  	[tilespmem:s12+$0x110] =	vst v33  }
0x184: {  	v33 =	vld.idx.msk [tilespmem:v51+s2+$0x0], $0xffff  }
0x185: {  	v52 =	vor.u32 v19, v32;
	_ =	sdelay $0x3  }
0x186: {  	[tilespmem:s12+$0x120] =	vst v33  }
0x187: {  	v33 =	vld.idx.msk [tilespmem:v52+s2+$0x0], $0xffff  }
0x188: {  	v53 =	vor.u32 v20, v32;
	_ =	sdelay $0x3  }
0x189: {  	[tilespmem:s12+$0x130] =	vst v33  }
0x18a: {  	v33 =	vld.idx.msk [tilespmem:v53+s2+$0x0], $0xffff  }
0x18b: {  	v54 =	vor.u32 v21, v32;
	_ =	sdelay $0x3  }
0x18c: {  	[tilespmem:s12+$0x140] =	vst v33  }
0x18d: {  	v33 =	vld.idx.msk [tilespmem:v54+s2+$0x0], $0xffff  }
0x18e: {  	v55 =	vor.u32 v22, v32;
	_ =	sdelay $0x3  }
0x18f: {  	[tilespmem:s12+$0x150] =	vst v33  }
0x190: {  	v33 =	vld.idx.msk [tilespmem:v55+s2+$0x0], $0xffff  }
0x191: {  	v56 =	vor.u32 v23, v32;
	_ =	sdelay $0x3  }
0x192: {  	[tilespmem:s12+$0x160] =	vst v33  }
0x193: {  	v33 =	vld.idx.msk [tilespmem:v56+s2+$0x0], $0xffff  }
0x194: {  	v57 =	vor.u32 v24, v32;
	_ =	sdelay $0x3  }
0x195: {  	[tilespmem:s12+$0x170] =	vst v33  }
0x196: {  	v33 =	vld.idx.msk [tilespmem:v57+s2+$0x0], $0xffff  }
0x197: {  	v58 =	vor.u32 v25, v32;
	_ =	sdelay $0x3  }
0x198: {  	[tilespmem:s12+$0x180] =	vst v33  }
0x199: {  	v33 =	vld.idx.msk [tilespmem:v58+s2+$0x0], $0xffff  }
0x19a: {  	v59 =	vor.u32 v26, v32;
	_ =	sdelay $0x3  }
0x19b: {  	[tilespmem:s12+$0x190] =	vst v33  }
0x19c: {  	v33 =	vld.idx.msk [tilespmem:v59+s2+$0x0], $0xffff  }
0x19d: {  	v60 =	vor.u32 v27, v32;
	_ =	sdelay $0x3  }
0x19e: {  	[tilespmem:s12+$0x1A0] =	vst v33  }
0x19f: {  	v33 =	vld.idx.msk [tilespmem:v60+s2+$0x0], $0xffff  }
0x1a0: {  	v61 =	vor.u32 v28, v32;
	_ =	sdelay $0x3  }
0x1a1: {  	[tilespmem:s12+$0x1B0] =	vst v33  }
0x1a2: {  	v33 =	vld.idx.msk [tilespmem:v61+s2+$0x0], $0xffff  }
0x1a3: {  	v62 =	vor.u32 v29, v32;
	_ =	sdelay $0x3  }
0x1a4: {  	[tilespmem:s12+$0x1C0] =	vst v33  }
0x1a5: {  	v33 =	vld.idx.msk [tilespmem:v62+s2+$0x0], $0xffff  }
0x1a6: {  	v63 =	vor.u32 v30, v32;
	_ =	sdelay $0x3  }
0x1a7: {  	[tilespmem:s12+$0x1D0] =	vst v33  }
0x1a8: {  	v33 =	vld.idx.msk [tilespmem:v63+s2+$0x0], $0xffff  }
0x1a9: {  	v32 =	vor.u32 v31, v32;
	_ =	sdelay $0x3  }
0x1aa: {  	[tilespmem:s12+$0x1E0] =	vst v33  }
0x1ab: {  	v32 =	vld.idx.msk [tilespmem:v32+s2+$0x0], $0xffff;
	_ =	sdelay $0x4  }
0x1ac: {  	s0 =	simm.s32 $0xA800;
	s10 =	sadd.s32 $0x200, s10;
	[tilespmem:s12+$0x1F0] =	vst v32  }
0x1ad: {  	[tilespmem:s10], [sflag:$0x1] =	stream.indirect.gather [hbm4b:s3+s13], $0x1, s12, s13, $0xb8;
	[tilespmem:$0xAA00] =	vst v63  }
0x1ae: {  	s13 =	simm.s32 $0x0;
	s3 =	rddreg [dreg:$0x8];
	s12 =	simm.s32 $0x2  }
0x1af: {  	[tilespmem:s0], [sflag:$0x2] =	stream.linear.gather [hbm4b:s3+s13], $0x200, $0x38;
	[tilespmem:$0xAA00] =	vst v63  }
0x1b0: {  	_ =	swait.ge [sflag:s12], $0x200  }
0x1b1: {  	[sflag:s12] =	ssyncset.done $0x0  }
0x1b2: {  	s13 =	simm.s32 $0x1;
	[sflag:s12] =	ssyncadd.s32 $0xFFFFFE00  }
0x1b3: {  	_ =	swait.ge [sflag:s13], $0x200  }
0x1b4: {  	[sflag:s13] =	ssyncset.done $0x0  }
0x1b5: {  	[sflag:s13] =	ssyncadd.s32 $0xFFFFFE00  }
0x1b6: {  	_ =	swait.ge [sflag:s13], $0x200  }
0x1b7: {  	[sflag:s13] =	ssyncset.done $0x0  }
0x1b8: {  	[sflag:s13] =	ssyncadd.s32 $0xFFFFFE00  }
0x1b9: {  	_ =	swait.ge [sflag:s13], $0x200  }
0x1ba: {  	[sflag:s13] =	ssyncset.done $0x0  }
0x1bb: {  	[sflag:s13] =	ssyncadd.s32 $0xFFFFFE00  }
0x1bc: {  	_ =	swait.ge [sflag:s13], $0x200  }
0x1bd: {  	[sflag:s13] =	ssyncset.done $0x0  }
0x1be: {  	[sflag:s13] =	ssyncadd.s32 $0xFFFFFE00  }
0x1bf: {  	_ =	swait.ge [sflag:s13], $0x200  }
0x1c0: {  	[sflag:s13] =	ssyncset.done $0x0  }
0x1c1: {  	[sflag:s13] =	ssyncadd.s32 $0xFFFFFE00  }
0x1c2: {  	_ =	swait.ge [sflag:s13], $0x200  }
0x1c3: {  	[sflag:s13] =	ssyncset.done $0x0  }
0x1c4: {  	[sflag:s13] =	ssyncadd.s32 $0xFFFFFE00  }
0x1c5: {  	_ =	swait.ge [sflag:s13], $0x200  }
0x1c6: {  	[sflag:s13] =	ssyncset.done $0x0  }
0x1c7: {  	[sflag:s13] =	ssyncadd.s32 $0xFFFFFE00  }
0x1c8: {  	_ =	swait.ge [sflag:s13], $0x200  }
0x1c9: {  	[sflag:s13] =	ssyncset.done $0x0  }
0x1ca: {  	[sflag:s13] =	ssyncadd.s32 $0xFFFFFE00  }
0x1cb: {  	_ =	swait.ge [sflag:s13], $0x200  }
0x1cc: {  	[sflag:s13] =	ssyncset.done $0x0  }
0x1cd: {  	[sflag:s13] =	ssyncadd.s32 $0xFFFFFE00  }
0x1ce: {  	_ =	swait.ge [sflag:s13], $0x200  }
0x1cf: {  	[sflag:s13] =	ssyncset.done $0x0  }
0x1d0: {  	[sflag:s13] =	ssyncadd.s32 $0xFFFFFE00  }
0x1d1: {  	_ =	swait.ge [sflag:s13], $0x200  }
0x1d2: {  	[sflag:s13] =	ssyncset.done $0x0  }
0x1d3: {  	[sflag:s13] =	ssyncadd.s32 $0xFFFFFE00  }
0x1d4: {  	_ =	swait.ge [sflag:s13], $0x200  }
0x1d5: {  	[sflag:s13] =	ssyncset.done $0x0  }
0x1d6: {  	[sflag:s13] =	ssyncadd.s32 $0xFFFFFE00  }
0x1d7: {  	_ =	swait.ge [sflag:s13], $0x200  }
0x1d8: {  	[sflag:s13] =	ssyncset.done $0x0  }
0x1d9: {  	[sflag:s13] =	ssyncadd.s32 $0xFFFFFE00  }
0x1da: {  	_ =	swait.ge [sflag:s13], $0x200  }
0x1db: {  	[sflag:s13] =	ssyncset.done $0x0  }
0x1dc: {  	[sflag:s13] =	ssyncadd.s32 $0xFFFFFE00  }
0x1dd: {  	_ =	swait.ge [sflag:s13], $0x200  }
0x1de: {  	[sflag:s13] =	ssyncset.done $0x0  }
0x1df: {  	[sflag:s13] =	ssyncadd.s32 $0xFFFFFE00  }
0x1e0: {  	_ =	swait.ge [sflag:s13], $0x200  }
0x1e1: {  	[sflag:s13] =	ssyncset.done $0x0  }
0x1e2: {  	[sflag:s13] =	ssyncadd.s32 $0xFFFFFE00  }
0x1e3: {  	_ =	swait.ge [sflag:s13], $0x200  }
0x1e4: {  	[sflag:s13] =	ssyncset.done $0x0  }
0x1e5: {  	[sflag:s13] =	ssyncadd.s32 $0xFFFFFE00  }
0x1e6: {  	_ =	swait.ge [sflag:s13], $0x200  }
0x1e7: {  	[sflag:s13] =	ssyncset.done $0x0  }
0x1e8: {  	[sflag:s13] =	ssyncadd.s32 $0xFFFFFE00  }
0x1e9: {  	_ =	swait.ge [sflag:s13], $0x200  }
0x1ea: {  	[sflag:s13] =	ssyncset.done $0x0  }
0x1eb: {  	[sflag:s13] =	ssyncadd.s32 $0xFFFFFE00  }
0x1ec: {  	_ =	swait.ge [sflag:s13], $0x200  }
0x1ed: {  	[sflag:s13] =	ssyncset.done $0x0  }
0x1ee: {  	[sflag:s13] =	ssyncadd.s32 $0xFFFFFE00  }
0x1ef: {  	_ =	swait.ge [sflag:s13], $0x200  }
0x1f0: {  	[sflag:s13] =	ssyncset.done $0x0  }
0x1f1: {  	[sflag:s13] =	ssyncadd.s32 $0xFFFFFE00  }
0x1f2: {  	_ =	swait.ge [sflag:s13], $0x200  }
0x1f3: {  	[sflag:s13] =	ssyncset.done $0x0  }
0x1f4: {  	[sflag:s13] =	ssyncadd.s32 $0xFFFFFE00  }
0x1f5: {  	_ =	swait.ge [sflag:s13], $0x200  }
0x1f6: {  	[sflag:s13] =	ssyncset.done $0x0  }
0x1f7: {  	[sflag:s13] =	ssyncadd.s32 $0xFFFFFE00  }
0x1f8: {  	_ =	swait.ge [sflag:s13], $0x200  }
0x1f9: {  	[sflag:s13] =	ssyncset.done $0x0  }
0x1fa: {  	[sflag:s13] =	ssyncadd.s32 $0xFFFFFE00  }
0x1fb: {  	_ =	swait.ge [sflag:s13], $0x200  }
0x1fc: {  	[sflag:s13] =	ssyncset.done $0x0  }
0x1fd: {  	[sflag:s13] =	ssyncadd.s32 $0xFFFFFE00  }
0x1fe: {  	s9 =	simm.s32 $0x0;
	_ =	swait.ge [sflag:s13], $0x200  }
0x1ff: {  	s10 =	simm.s32 $0x800;
	s0 =	simm.s32 $0xA960;
	[sflag:s13] =	ssyncset.done $0x0  }
0x200: {  	s3 =	simm.s32 $0xA9E0;
	[sflag:s13] =	ssyncadd.s32 $0xFFFFFE00;
	s13 =	simm.s32 $0xA9F0  }
.LBB2_4:
0x201: {  	v32 =	vld [tilespmem:s9+$0x7400];
	_ =	sdelay $0x3  }
0x202: {  	s12 =	simm.s32 $0xA800  }
0x203: {  	[tilespmem:s12+$0x0] =	vst.add.f32.msk $0xffff, v32  }
0x204: {  	v32 =	vld [tilespmem:s9+$0x7410];
	_ =	sdelay $0x3  }
0x205: {  	s12 =	rddreg [dreg:$0x3]  }
0x206: {  	[tilespmem:s12+$0x0] =	vst.add.f32.msk $0xffff, v32  }
0x207: {  	v32 =	vld [tilespmem:s9+$0x7420];
	_ =	sdelay $0x3  }
0x208: {  	s12 =	rddreg [dreg:$0x4]  }
0x209: {  	[tilespmem:s12+$0x0] =	vst.add.f32.msk $0xffff, v32  }
0x20a: {  	v32 =	vld [tilespmem:s9+$0x7430];
	_ =	sdelay $0x3  }
0x20b: {  	s12 =	rddreg [dreg:$0x5]  }
0x20c: {  	[tilespmem:s12+$0x0] =	vst.add.f32.msk $0xffff, v32  }
0x20d: {  	v32 =	vld [tilespmem:s9+$0x7440];
	_ =	sdelay $0x3  }
0x20e: {  	s12 =	rddreg [dreg:$0x6]  }
0x20f: {  	[tilespmem:s12+$0x0] =	vst.add.f32.msk $0xffff, v32  }
0x210: {  	v32 =	vld [tilespmem:s9+$0x7450];
	_ =	sdelay $0x4  }
0x211: {  	[tilespmem:s14+$0x0] =	vst.add.f32.msk $0xffff, v32  }
0x212: {  	v32 =	vld [tilespmem:s9+$0x7460];
	_ =	sdelay $0x4  }
0x213: {  	[tilespmem:s15+$0x0] =	vst.add.f32.msk $0xffff, v32  }
0x214: {  	v32 =	vld [tilespmem:s9+$0x7470];
	_ =	sdelay $0x4  }
0x215: {  	[tilespmem:s16+$0x0] =	vst.add.f32.msk $0xffff, v32  }
0x216: {  	v32 =	vld [tilespmem:s9+$0x7480];
	_ =	sdelay $0x4  }
0x217: {  	[tilespmem:s17+$0x0] =	vst.add.f32.msk $0xffff, v32  }
0x218: {  	v32 =	vld [tilespmem:s9+$0x7490];
	_ =	sdelay $0x4  }
0x219: {  	[tilespmem:s18+$0x0] =	vst.add.f32.msk $0xffff, v32  }
0x21a: {  	v32 =	vld [tilespmem:s9+$0x74A0];
	_ =	sdelay $0x4  }
0x21b: {  	[tilespmem:s19+$0x0] =	vst.add.f32.msk $0xffff, v32  }
0x21c: {  	v32 =	vld [tilespmem:s9+$0x74B0];
	_ =	sdelay $0x4  }
0x21d: {  	[tilespmem:s20+$0x0] =	vst.add.f32.msk $0xffff, v32  }
0x21e: {  	v32 =	vld [tilespmem:s9+$0x74C0];
	_ =	sdelay $0x4  }
0x21f: {  	[tilespmem:s21+$0x0] =	vst.add.f32.msk $0xffff, v32  }
0x220: {  	v32 =	vld [tilespmem:s9+$0x74D0];
	_ =	sdelay $0x4  }
0x221: {  	[tilespmem:s22+$0x0] =	vst.add.f32.msk $0xffff, v32  }
0x222: {  	v32 =	vld [tilespmem:s9+$0x74E0];
	_ =	sdelay $0x4  }
0x223: {  	[tilespmem:s23+$0x0] =	vst.add.f32.msk $0xffff, v32  }
0x224: {  	v32 =	vld [tilespmem:s9+$0x74F0];
	_ =	sdelay $0x4  }
0x225: {  	[tilespmem:s24+$0x0] =	vst.add.f32.msk $0xffff, v32  }
0x226: {  	v32 =	vld [tilespmem:s9+$0x7500];
	_ =	sdelay $0x4  }
0x227: {  	[tilespmem:s25+$0x0] =	vst.add.f32.msk $0xffff, v32  }
0x228: {  	v32 =	vld [tilespmem:s9+$0x7510];
	_ =	sdelay $0x4  }
0x229: {  	[tilespmem:s26+$0x0] =	vst.add.f32.msk $0xffff, v32  }
0x22a: {  	v32 =	vld [tilespmem:s9+$0x7520];
	_ =	sdelay $0x4  }
0x22b: {  	[tilespmem:s28+$0x0] =	vst.add.f32.msk $0xffff, v32  }
0x22c: {  	v32 =	vld [tilespmem:s9+$0x7530];
	_ =	sdelay $0x4  }
0x22d: {  	[tilespmem:s29+$0x0] =	vst.add.f32.msk $0xffff, v32  }
0x22e: {  	v32 =	vld [tilespmem:s9+$0x7540];
	_ =	sdelay $0x4  }
0x22f: {  	[tilespmem:s30+$0x0] =	vst.add.f32.msk $0xffff, v32  }
0x230: {  	v32 =	vld [tilespmem:s9+$0x7550];
	_ =	sdelay $0x4  }
0x231: {  	[tilespmem:s31+$0x0] =	vst.add.f32.msk $0xffff, v32  }
0x232: {  	v32 =	vld [tilespmem:s9+$0x7560];
	_ =	sdelay $0x4  }
0x233: {  	[tilespmem:s0+$0x0] =	vst.add.f32.msk $0xffff, v32  }
0x234: {  	v32 =	vld [tilespmem:s9+$0x7570];
	_ =	sdelay $0x4  }
0x235: {  	[tilespmem:s1+$0x0] =	vst.add.f32.msk $0xffff, v32  }
0x236: {  	v32 =	vld [tilespmem:s9+$0x7580];
	_ =	sdelay $0x4  }
0x237: {  	[tilespmem:s4+$0x0] =	vst.add.f32.msk $0xffff, v32  }
0x238: {  	v32 =	vld [tilespmem:s9+$0x7590];
	_ =	sdelay $0x4  }
0x239: {  	[tilespmem:s5+$0x0] =	vst.add.f32.msk $0xffff, v32  }
0x23a: {  	v32 =	vld [tilespmem:s9+$0x75A0];
	_ =	sdelay $0x4  }
0x23b: {  	[tilespmem:s6+$0x0] =	vst.add.f32.msk $0xffff, v32  }
0x23c: {  	v32 =	vld [tilespmem:s9+$0x75B0];
	_ =	sdelay $0x4  }
0x23d: {  	[tilespmem:s7+$0x0] =	vst.add.f32.msk $0xffff, v32  }
0x23e: {  	v32 =	vld [tilespmem:s9+$0x75C0];
	_ =	sdelay $0x4  }
0x23f: {  	[tilespmem:s8+$0x0] =	vst.add.f32.msk $0xffff, v32  }
0x240: {  	v32 =	vld [tilespmem:s9+$0x75D0];
	_ =	sdelay $0x4  }
0x241: {  	[tilespmem:s11+$0x0] =	vst.add.f32.msk $0xffff, v32  }
0x242: {  	v32 =	vld [tilespmem:s9+$0x75E0];
	_ =	sdelay $0x4  }
0x243: {  	[tilespmem:s3+$0x0] =	vst.add.f32.msk $0xffff, v32  }
0x244: {  	p0 =	sne.s32 s10, $0xC800;
	v32 =	vld [tilespmem:s9+$0x75F0]  }
.Ltmp1:
0x245: {  	_ = 	snop;
	(pc) =	sbr.rel @p0 .LBB2_4-.Ltmp1, $2  }
0x246: {  	_ =	sdelay $0x2  }
0x247: {  	s9 =	sshra.s32 s10, $0x2;
	s10 =	sadd.s32 $0x800, s10;
	[tilespmem:s13+$0x0] =	vst.add.f32.msk $0xffff, v32  }
0x248: {  	v32 =	vld [tilespmem:s9+$0x7400];
	_ =	sdelay $0x3  }
0x249: {  	s12 =	simm.s32 $0xA800  }
0x24a: {  	[tilespmem:s12+$0x0] =	vst.add.f32.msk $0xffff, v32  }
0x24b: {  	v32 =	vld [tilespmem:s9+$0x7410];
	_ =	sdelay $0x3  }
0x24c: {  	s10 =	rddreg [dreg:$0x3]  }
0x24d: {  	[tilespmem:s10+$0x0] =	vst.add.f32.msk $0xffff, v32  }
0x24e: {  	v32 =	vld [tilespmem:s9+$0x7420];
	_ =	sdelay $0x3  }
0x24f: {  	s10 =	rddreg [dreg:$0x4]  }
0x250: {  	[tilespmem:s10+$0x0] =	vst.add.f32.msk $0xffff, v32  }
0x251: {  	v32 =	vld [tilespmem:s9+$0x7430];
	_ =	sdelay $0x3  }
0x252: {  	s10 =	rddreg [dreg:$0x5]  }
0x253: {  	[tilespmem:s10+$0x0] =	vst.add.f32.msk $0xffff, v32  }
0x254: {  	v32 =	vld [tilespmem:s9+$0x7440];
	_ =	sdelay $0x3  }
0x255: {  	s10 =	rddreg [dreg:$0x6]  }
0x256: {  	[tilespmem:s10+$0x0] =	vst.add.f32.msk $0xffff, v32  }
0x257: {  	v32 =	vld [tilespmem:s9+$0x7450];
	_ =	sdelay $0x4  }
0x258: {  	[tilespmem:s14+$0x0] =	vst.add.f32.msk $0xffff, v32  }
0x259: {  	v32 =	vld [tilespmem:s9+$0x7460];
	_ =	sdelay $0x4  }
0x25a: {  	[tilespmem:s15+$0x0] =	vst.add.f32.msk $0xffff, v32  }
0x25b: {  	v32 =	vld [tilespmem:s9+$0x7470];
	_ =	sdelay $0x4  }
0x25c: {  	[tilespmem:s16+$0x0] =	vst.add.f32.msk $0xffff, v32  }
0x25d: {  	v32 =	vld [tilespmem:s9+$0x7480];
	_ =	sdelay $0x4  }
0x25e: {  	[tilespmem:s17+$0x0] =	vst.add.f32.msk $0xffff, v32  }
0x25f: {  	v32 =	vld [tilespmem:s9+$0x7490];
	_ =	sdelay $0x4  }
0x260: {  	[tilespmem:s18+$0x0] =	vst.add.f32.msk $0xffff, v32  }
0x261: {  	v32 =	vld [tilespmem:s9+$0x74A0];
	_ =	sdelay $0x4  }
0x262: {  	[tilespmem:s19+$0x0] =	vst.add.f32.msk $0xffff, v32  }
0x263: {  	v32 =	vld [tilespmem:s9+$0x74B0];
	_ =	sdelay $0x4  }
0x264: {  	[tilespmem:s20+$0x0] =	vst.add.f32.msk $0xffff, v32  }
0x265: {  	v32 =	vld [tilespmem:s9+$0x74C0];
	_ =	sdelay $0x4  }
0x266: {  	[tilespmem:s21+$0x0] =	vst.add.f32.msk $0xffff, v32  }
0x267: {  	v32 =	vld [tilespmem:s9+$0x74D0];
	_ =	sdelay $0x4  }
0x268: {  	[tilespmem:s22+$0x0] =	vst.add.f32.msk $0xffff, v32  }
0x269: {  	v32 =	vld [tilespmem:s9+$0x74E0];
	_ =	sdelay $0x4  }
0x26a: {  	[tilespmem:s23+$0x0] =	vst.add.f32.msk $0xffff, v32  }
0x26b: {  	v32 =	vld [tilespmem:s9+$0x74F0];
	_ =	sdelay $0x4  }
0x26c: {  	[tilespmem:s24+$0x0] =	vst.add.f32.msk $0xffff, v32  }
0x26d: {  	v32 =	vld [tilespmem:s9+$0x7500];
	_ =	sdelay $0x4  }
0x26e: {  	[tilespmem:s25+$0x0] =	vst.add.f32.msk $0xffff, v32  }
0x26f: {  	v32 =	vld [tilespmem:s9+$0x7510];
	_ =	sdelay $0x4  }
0x270: {  	[tilespmem:s26+$0x0] =	vst.add.f32.msk $0xffff, v32  }
0x271: {  	v32 =	vld [tilespmem:s9+$0x7520];
	_ =	sdelay $0x4  }
0x272: {  	[tilespmem:s28+$0x0] =	vst.add.f32.msk $0xffff, v32  }
0x273: {  	v32 =	vld [tilespmem:s9+$0x7530];
	_ =	sdelay $0x4  }
0x274: {  	[tilespmem:s29+$0x0] =	vst.add.f32.msk $0xffff, v32  }
0x275: {  	v32 =	vld [tilespmem:s9+$0x7540];
	_ =	sdelay $0x4  }
0x276: {  	[tilespmem:s30+$0x0] =	vst.add.f32.msk $0xffff, v32  }
0x277: {  	v32 =	vld [tilespmem:s9+$0x7550];
	_ =	sdelay $0x4  }
0x278: {  	[tilespmem:s31+$0x0] =	vst.add.f32.msk $0xffff, v32  }
0x279: {  	v32 =	vld [tilespmem:s9+$0x7560];
	_ =	sdelay $0x4  }
0x27a: {  	[tilespmem:s0+$0x0] =	vst.add.f32.msk $0xffff, v32  }
0x27b: {  	v32 =	vld [tilespmem:s9+$0x7570];
	_ =	sdelay $0x4  }
0x27c: {  	[tilespmem:s1+$0x0] =	vst.add.f32.msk $0xffff, v32  }
0x27d: {  	v32 =	vld [tilespmem:s9+$0x7580];
	_ =	sdelay $0x4  }
0x27e: {  	[tilespmem:s4+$0x0] =	vst.add.f32.msk $0xffff, v32  }
0x27f: {  	v32 =	vld [tilespmem:s9+$0x7590];
	_ =	sdelay $0x4  }
0x280: {  	[tilespmem:s5+$0x0] =	vst.add.f32.msk $0xffff, v32  }
0x281: {  	v32 =	vld [tilespmem:s9+$0x75A0];
	_ =	sdelay $0x4  }
0x282: {  	[tilespmem:s6+$0x0] =	vst.add.f32.msk $0xffff, v32  }
0x283: {  	v32 =	vld [tilespmem:s9+$0x75B0];
	_ =	sdelay $0x4  }
0x284: {  	[tilespmem:s7+$0x0] =	vst.add.f32.msk $0xffff, v32  }
0x285: {  	v32 =	vld [tilespmem:s9+$0x75C0];
	_ =	sdelay $0x4  }
0x286: {  	[tilespmem:s8+$0x0] =	vst.add.f32.msk $0xffff, v32  }
0x287: {  	v32 =	vld [tilespmem:s9+$0x75D0];
	_ =	sdelay $0x4  }
0x288: {  	[tilespmem:s11+$0x0] =	vst.add.f32.msk $0xffff, v32  }
0x289: {  	v32 =	vld [tilespmem:s9+$0x75E0];
	_ =	sdelay $0x4  }
0x28a: {  	[tilespmem:s3+$0x0] =	vst.add.f32.msk $0xffff, v32  }
0x28b: {  	v32 =	vld [tilespmem:s9+$0x75F0];
	_ =	sdelay $0x4  }
0x28c: {  	s10 =	rddreg [dreg:$0x9];
	[tilespmem:s13+$0x0] =	vst.add.f32.msk $0xffff, v32  }
0x28d: {  	[hbm4b:s10+s2] =	stream.linear.scatter [tilespmem:s12], [sflag:$0x2], $0x200, $0x38;
	[tilespmem:$0xAA00] =	vst v63  }
0x28e: {  	s10 =	simm.s32 $0x2  }
0x28f: {  	_ =	swait.ge [sflag:s10], $0x200  }
0x290: {  	s12 =	rddreg [dreg:$0xc]  }
0x291: {  	s13 =	rddreg [dreg:$0xa];
	s0 =	sadd.s32 $0x1, s12  }
0x292: {  	p0 =	sne.s32 s0, s13  }
.Ltmp2:
0x293: {  	_ = 	snop;
	(pc) =	sbr.rel @p0 .LBB2_1-.Ltmp2, $3  }
0x294: {  	_ =	sdelay $0x1  }
0x295: {  	[sflag:s10] =	ssyncset.done $0x0  }
0x296: {  	s3 =	rddreg [dreg:$0xb];
	[sflag:s10] =	ssyncadd.s32 $0xFFFFFE00;
	s12 =	simm.s32 $0x200  }
0x297: {  	_ =	sfence.sel $0x180000  }
0x298: {  	[bflag:$0x0] =	sbarrier.arrive $0xFFFF  }
0x299: {  	_ =	strace $0x90000047  }
0x29a: {  	s0 =	stileid.u32;
	[bflag:$0x2] =	sbarrier.arrive $0xFFFF  }
0x29b: {  	p0 =	sne.s32 s0, $0x0;
	s0 =	rddreg [dreg:$0x2]  }
0x29c: {  	s0 =	sadd.s32 @!p0 $0x100000, s0  }
0x29d: {  	[sflag:s0] =	ssyncadd.tile.s32 @!p0 $0x1;
	_ =	shalt  }
.Lfunc_end2:
_tile_overlayer_lowered:
.L_overlay_start_2:
0x29e: {  	(tag) =	ssettag $0x2  }
0x29f: {  	s0 =	rddreg [dreg:$0x0];
	s2 =	stileid.u32  }
0x2a0: {  	s1 =	rddreg [dreg:$0x1];
	p0 =	sne.s32 s2, $0x0  }
0x2a1: {  	s3 =	rddreg [dreg:$0x2];
	[bflag:$0x3] =	sbarrier.arrive $0xFFFF;
	s2 =	simm.s32 @!p0 $0x1C02  }
0x2a2: {  	[timem:s3], [sflag:s2] =	dma.local @!p0 [hbm:s0], s1  }
0x2a3: {  	s0 =	simm.s32 @!p0 $0x2  }
0x2a4: {  	_ =	swait.ge @!p0 [sflag:s0], s1  }
0x2a5: {  	s1 =	ssub.s32 @!p0 $0x0, s1;
	[sflag:s0] =	ssyncset.done @!p0 $0x0  }
0x2a6: {  	[sflag:s0] =	ssyncadd.s32 @!p0 s1  }
0x2a7: {  	[bflag:$0x3] =	sbarrier.arrive $0xFFFF  }
0x2a8: {  	_ =	shalt  }

</sc_bundles>
